<compile_context>
chip_gen: v7x
topology: tpu7x:2x2x1
jax: 0.10.2.dev20260603
libtpu: 0.0.44.dev20260713+nightly
codegen_flags: <defaults>
</compile_context>

<pallas_src>
import functools
import jax
import jax.numpy as jnp
from jax import lax
from jax.experimental import pallas as pl
from jax.experimental.pallas import tpu as pltpu
from jax.experimental.pallas import tpu_sc as plsc

_LN2 = 0.6931471805599453
_LN100 = 4.605170185988091

_EMB_OFF = 64
_BIAS_OFF = _EMB_OFF + 64 * 64
_CO_OFF = _BIAS_OFF + 64
_TOTAL = _CO_OFF + 32 * 32


def _ln(x):
    i = plsc.bitcast(x, jnp.int32)
    e = ((i >> 23) & 0xFF) - 127
    m = plsc.bitcast((i & 0x7FFFFF) | 0x3F800000, jnp.float32)
    s = (m - 1.0) / (m + 1.0)
    s2 = s * s
    p = 1.0 + s2 * (1.0 / 3.0 + s2 * (1.0 / 5.0 + s2 * (1.0 / 7.0 + s2 * (1.0 / 9.0))))
    return e.astype(jnp.float32) * _LN2 + 2.0 * s * p


def _make_sc_kernel():
    mesh = plsc.VectorSubcoreMesh(
        core_axis_name="c", subcore_axis_name="s", num_cores=1, num_subcores=1)

    @functools.partial(
        pl.kernel,
        mesh=mesh,
        out_type=jax.ShapeDtypeStruct((16,), jnp.float32),
        scratch_types=[
            pltpu.VMEM((_TOTAL,), jnp.float32),
            pltpu.VMEM((16,), jnp.float32),
            pltpu.SemaphoreType.DMA,
        ],
        compiler_params=pltpu.CompilerParams(
            use_tc_tiling_on_sc=False, needs_layout_passes=False),
    )
    def k(flat_hbm, out_hbm, flat_v, out_v, s0):
        wid = lax.axis_index("s") + lax.axis_index("c")

        @pl.when(wid == 0)
        def _():
            pltpu.async_copy(flat_hbm, flat_v, s0).wait()

            total = jnp.zeros((16,), jnp.float32)
            for h in range(2):
                c16 = plsc.bitcast(flat_v[pl.ds(16 * h, 16)], jnp.int32)
                u16 = plsc.bitcast(flat_v[pl.ds(32 + 16 * h, 16)], jnp.int32)
                c_row = _EMB_OFF + (c16 << 6)
                u_row = _EMB_OFF + (u16 << 6)
                accs = [jnp.zeros((16,), jnp.float32) for _ in range(4)]
                for d in range(64):
                    dv = jnp.full((16,), d, jnp.int32)
                    accs[d % 4] = accs[d % 4] + (
                        plsc.load_gather(flat_v, [c_row + dv])
                        * plsc.load_gather(flat_v, [u_row + dv]))
                acc = (accs[0] + accs[1]) + (accs[2] + accs[3])
                cb = plsc.load_gather(flat_v, [_BIAS_OFF + c16])
                tb = plsc.load_gather(flat_v, [_BIAS_OFF + u16])
                co = plsc.load_gather(flat_v, [(_CO_OFF - 32) + (c16 << 5) + u16])
                ln_co = _ln(co)
                w = jnp.where(co < 100.0, jnp.exp(0.75 * (ln_co - _LN100)), 1.0)
                resid = acc + cb + tb - ln_co
                total = total + resid * resid * w
            loss = jnp.sum(total)
            out_v[...] = jnp.full((16,), loss, jnp.float32)
            pltpu.sync_copy(out_v, out_hbm)

    return k


def kernel(center_word_lookup, context_word_lookup, emb_V, emb_U, v_bias, u_bias, comat):
    idx = jnp.concatenate([
        center_word_lookup.astype(jnp.int32),
        context_word_lookup.astype(jnp.int32) + 32,
    ])
    flat = jnp.concatenate([
        jax.lax.bitcast_convert_type(idx, jnp.float32),
        emb_V[:32].reshape(-1),
        emb_U[:32].reshape(-1),
        v_bias[:32, 0],
        u_bias[:32, 0],
        comat.reshape(-1),
    ])
    out = _make_sc_kernel()(flat)
    return out[0]

# --- scband reference (transcript-rebuilt; emitter-appended) ---
"""Pipeline reference for scband-glove-61787399521004 (READ-ONLY COPY).

The authoritative reference and input builder live on the scoring server;
editing this copy changes nothing except your own understanding.
"""

import jax, jax.numpy as jnp
import numpy as np

VOCAB = 100000
EMBED = 64
BATCH = 32
COMAT_N = 32
X_MAX = 100.0
ALPHA = 0.75


def weight_fn(x):
    # elementwise version of the torch scalar weight_fn
    return jnp.where(x < X_MAX, (x / X_MAX) ** ALPHA, jnp.ones_like(x))


def setup_inputs(seed: int = 0) -> dict:
    key = jax.random.key(seed)
    k0, k1, k2, k3, k4, k5 = jax.random.split(key, 6)
    center_word_lookup = jax.random.randint(k0, (BATCH,), 0, COMAT_N)
    context_word_lookup = jax.random.randint(k1, (BATCH,), 0, COMAT_N)
    # learned parameters, uniform(-0.5, 0.5) as in the torch init
    emb_V = jax.random.uniform(k2, (VOCAB, EMBED), minval=-0.5, maxval=0.5, dtype=jnp.float32)
    emb_U = jax.random.uniform(k3, (VOCAB, EMBED), minval=-0.5, maxval=0.5, dtype=jnp.float32)
    v_bias = jax.random.uniform(k4, (VOCAB, 1), minval=-0.5, maxval=0.5, dtype=jnp.float32)
    u_bias = jax.random.uniform(k5, (VOCAB, 1), minval=-0.5, maxval=0.5, dtype=jnp.float32)
    # co-occurrence matrix (constant 5.0, matching init_kwargs)
    comat = jnp.full((COMAT_N, COMAT_N), 5.0, dtype=jnp.float32)
    return {
        "center_word_lookup": center_word_lookup,
        "context_word_lookup": context_word_lookup,
        "emb_V": emb_V,
        "emb_U": emb_U,
        "v_bias": v_bias,
        "u_bias": u_bias,
        "comat": comat,
    }


def reference(center_word_lookup, context_word_lookup, emb_V, emb_U, v_bias, u_bias, comat):
    center_embed = jnp.take(emb_V, center_word_lookup, axis=0)
    target_embed = jnp.take(emb_U, context_word_lookup, axis=0)
    center_bias = jnp.take(v_bias, center_word_lookup, axis=0)[:, 0]
    target_bias = jnp.take(u_bias, context_word_lookup, axis=0)[:, 0]
    co_occurrences = comat[center_word_lookup, context_word_lookup]
    weights = weight_fn(co_occurrences)
    loss = jnp.sum(
        jnp.power(
            jnp.sum(center_embed * target_embed, axis=1)
            + center_bias
            + target_bias
            - jnp.log(co_occurrences),
            2,
        )
        * weights
    )
    return loss

if __name__ == "__main__":
    import jax
    _d = setup_inputs()
    print(jax.jit(kernel)(*tuple(_d.values())))

</pallas_src>

<mosaic_0001>
#map = affine_map<(d0, d1) -> (0)>
module attributes {stable_mosaic.version = 14 : i64} {
  func.func @k(%arg0: i32, %arg1: i32, %arg2: memref<5248xf32, #tpu.memory_space<hbm>>, %arg3: memref<16xf32, #tpu.memory_space<hbm>>, %arg4: memref<5248xf32, #tpu.memory_space<vmem>>, %arg5: memref<16xf32, #tpu.memory_space<vmem>>, %arg6: memref<!tpu.dma_semaphore, #tpu.memory_space<semaphore_mem>>) attributes {dimension_semantics = [#tpu.dimension_semantics<core_parallel>, #tpu.dimension_semantics<subcore_parallel>], iteration_bounds = array<i64: 1, 1>, scalar_prefetch = 0 : i64, scratch_operands = 3 : i64, tpu.core_type = #tpu.core_type<sc_vector_subcore>, window_params = [{transform_indices = #map}, {transform_indices = #map}]} {
    %add3A = arith.addi %arg1, %arg0 : i32
    %eq3A = arith.constant 0 : i32
    %eq3A_0 = arith.cmpi eq, %add3A, %eq3A : i32
    %convert_element_type3A = arith.extui %eq3A_0 : i1 to i32
    %cond3A = arith.constant 0 : i32
    %cond3A_1 = arith.cmpi ne, %convert_element_type3A, %cond3A : i32
    scf.if %cond3A_1 {
      tpu.enqueue_dma source(%arg2 : memref<5248xf32, #tpu.memory_space<hbm>>) target(%arg4 : memref<5248xf32, #tpu.memory_space<vmem>>) target_semaphore(%arg6 : memref<!tpu.dma_semaphore, #tpu.memory_space<semaphore_mem>>)
      tpu.wait_dma2 semaphore(%arg6 : memref<!tpu.dma_semaphore, #tpu.memory_space<semaphore_mem>>) src(%arg2 : memref<5248xf32, #tpu.memory_space<hbm>>) dst(%arg4 : memref<5248xf32, #tpu.memory_space<vmem>>)
      %broadcast_in_dim3A = arith.constant 0.000000e+00 : f32
      %broadcast_in_dim3A_2 = vector.broadcast %broadcast_in_dim3A : f32 to vector<16xf32>
      %get3A = arith.constant 0 : index
      %get3A_3 = tpu.vector_load %arg4[%get3A] {strides = array<i32>} : memref<5248xf32, #tpu.memory_space<vmem>>, vector<16xf32>,
      %bitcast3A = vector.bitcast %get3A_3 : vector<16xf32> to vector<16xi32>
      %get3A_4 = arith.constant 32 : index
      %get3A_5 = tpu.vector_load %arg4[%get3A_4] {strides = array<i32>} : memref<5248xf32, #tpu.memory_space<vmem>>, vector<16xf32>,
      %bitcast3A_6 = vector.bitcast %get3A_5 : vector<16xf32> to vector<16xi32>
      %shift_left3A = arith.constant 6 : i32
      %shift_left3A_7 = vector.broadcast %shift_left3A : i32 to vector<16xi32>
      %shift_left3A_8 = arith.shli %bitcast3A, %shift_left3A_7 : vector<16xi32>
      %add3A_9 = arith.constant 64 : i32
      %add3A_10 = vector.broadcast %add3A_9 : i32 to vector<16xi32>
      %add3A_11 = arith.addi %add3A_10, %shift_left3A_8 : vector<16xi32>
      %shift_left3A_12 = arith.constant 6 : i32
      %shift_left3A_13 = vector.broadcast %shift_left3A_12 : i32 to vector<16xi32>
      %shift_left3A_14 = arith.shli %bitcast3A_6, %shift_left3A_13 : vector<16xi32>
      %add3A_15 = arith.constant 64 : i32
      %add3A_16 = vector.broadcast %add3A_15 : i32 to vector<16xi32>
      %add3A_17 = arith.addi %add3A_16, %shift_left3A_14 : vector<16xi32>
      %broadcast_in_dim3A_18 = arith.constant 0.000000e+00 : f32
      %broadcast_in_dim3A_19 = vector.broadcast %broadcast_in_dim3A_18 : f32 to vector<16xf32>
      %broadcast_in_dim3A_20 = arith.constant 0.000000e+00 : f32
      %broadcast_in_dim3A_21 = vector.broadcast %broadcast_in_dim3A_20 : f32 to vector<16xf32>
      %broadcast_in_dim3A_22 = arith.constant 0.000000e+00 : f32
      %broadcast_in_dim3A_23 = vector.broadcast %broadcast_in_dim3A_22 : f32 to vector<16xf32>
      %broadcast_in_dim3A_24 = arith.constant 0.000000e+00 : f32
      %broadcast_in_dim3A_25 = vector.broadcast %broadcast_in_dim3A_24 : f32 to vector<16xf32>
      %broadcast_in_dim3A_26 = arith.constant 0 : i32
      %broadcast_in_dim3A_27 = vector.broadcast %broadcast_in_dim3A_26 : i32 to vector<16xi32>
      %add3A_28 = arith.addi %add3A_11, %broadcast_in_dim3A_27 : vector<16xi32>
      %gather3A = tpu.vector_load_idx %arg4[%add3A_28] : memref<5248xf32, #tpu.memory_space<vmem>>[vector<16xi32>], vector<16xf32>,
      %add3A_29 = arith.addi %add3A_17, %broadcast_in_dim3A_27 : vector<16xi32>
      %gather3A_30 = tpu.vector_load_idx %arg4[%add3A_29] : memref<5248xf32, #tpu.memory_space<vmem>>[vector<16xi32>], vector<16xf32>,
      %mul3A = arith.mulf %gather3A, %gather3A_30 : vector<16xf32>
      %add3A_31 = arith.addf %broadcast_in_dim3A_19, %mul3A : vector<16xf32>
      %broadcast_in_dim3A_32 = arith.constant 1 : i32
      %broadcast_in_dim3A_33 = vector.broadcast %broadcast_in_dim3A_32 : i32 to vector<16xi32>
      %add3A_34 = arith.addi %add3A_11, %broadcast_in_dim3A_33 : vector<16xi32>
      %gather3A_35 = tpu.vector_load_idx %arg4[%add3A_34] : memref<5248xf32, #tpu.memory_space<vmem>>[vector<16xi32>], vector<16xf32>,
      %add3A_36 = arith.addi %add3A_17, %broadcast_in_dim3A_33 : vector<16xi32>
      %gather3A_37 = tpu.vector_load_idx %arg4[%add3A_36] : memref<5248xf32, #tpu.memory_space<vmem>>[vector<16xi32>], vector<16xf32>,
      %mul3A_38 = arith.mulf %gather3A_35, %gather3A_37 : vector<16xf32>
      %add3A_39 = arith.addf %broadcast_in_dim3A_21, %mul3A_38 : vector<16xf32>
      %broadcast_in_dim3A_40 = arith.constant 2 : i32
      %broadcast_in_dim3A_41 = vector.broadcast %broadcast_in_dim3A_40 : i32 to vector<16xi32>
      %add3A_42 = arith.addi %add3A_11, %broadcast_in_dim3A_41 : vector<16xi32>
      %gather3A_43 = tpu.vector_load_idx %arg4[%add3A_42] : memref<5248xf32, #tpu.memory_space<vmem>>[vector<16xi32>], vector<16xf32>,
      %add3A_44 = arith.addi %add3A_17, %broadcast_in_dim3A_41 : vector<16xi32>
      %gather3A_45 = tpu.vector_load_idx %arg4[%add3A_44] : memref<5248xf32, #tpu.memory_space<vmem>>[vector<16xi32>], vector<16xf32>,
      %mul3A_46 = arith.mulf %gather3A_43, %gather3A_45 : vector<16xf32>
      %add3A_47 = arith.addf %broadcast_in_dim3A_23, %mul3A_46 : vector<16xf32>
      %broadcast_in_dim3A_48 = arith.constant 3 : i32
      %broadcast_in_dim3A_49 = vector.broadcast %broadcast_in_dim3A_48 : i32 to vector<16xi32>
      %add3A_50 = arith.addi %add3A_11, %broadcast_in_dim3A_49 : vector<16xi32>
      %gather3A_51 = tpu.vector_load_idx %arg4[%add3A_50] : memref<5248xf32, #tpu.memory_space<vmem>>[vector<16xi32>], vector<16xf32>,
      %add3A_52 = arith.addi %add3A_17, %broadcast_in_dim3A_49 : vector<16xi32>
      %gather3A_53 = tpu.vector_load_idx %arg4[%add3A_52] : memref<5248xf32, #tpu.memory_space<vmem>>[vector<16xi32>], vector<16xf32>,
      %mul3A_54 = arith.mulf %gather3A_51, %gather3A_53 : vector<16xf32>
      %add3A_55 = arith.addf %broadcast_in_dim3A_25, %mul3A_54 : vector<16xf32>
      %broadcast_in_dim3A_56 = arith.constant 4 : i32
      %broadcast_in_dim3A_57 = vector.broadcast %broadcast_in_dim3A_56 : i32 to vector<16xi32>
      %add3A_58 = arith.addi %add3A_11, %broadcast_in_dim3A_57 : vector<16xi32>
      %gather3A_59 = tpu.vector_load_idx %arg4[%add3A_58] : memref<5248xf32, #tpu.memory_space<vmem>>[vector<16xi32>], vector<16xf32>,
      %add3A_60 = arith.addi %add3A_17, %broadcast_in_dim3A_57 : vector<16xi32>
      %gather3A_61 = tpu.vector_load_idx %arg4[%add3A_60] : memref<5248xf32, #tpu.memory_space<vmem>>[vector<16xi32>], vector<16xf32>,
      %mul3A_62 = arith.mulf %gather3A_59, %gather3A_61 : vector<16xf32>
      %add3A_63 = arith.addf %add3A_31, %mul3A_62 : vector<16xf32>
      %broadcast_in_dim3A_64 = arith.constant 5 : i32
      %broadcast_in_dim3A_65 = vector.broadcast %broadcast_in_dim3A_64 : i32 to vector<16xi32>
      %add3A_66 = arith.addi %add3A_11, %broadcast_in_dim3A_65 : vector<16xi32>
      %gather3A_67 = tpu.vector_load_idx %arg4[%add3A_66] : memref<5248xf32, #tpu.memory_space<vmem>>[vector<16xi32>], vector<16xf32>,
      %add3A_68 = arith.addi %add3A_17, %broadcast_in_dim3A_65 : vector<16xi32>
      %gather3A_69 = tpu.vector_load_idx %arg4[%add3A_68] : memref<5248xf32, #tpu.memory_space<vmem>>[vector<16xi32>], vector<16xf32>,
      %mul3A_70 = arith.mulf %gather3A_67, %gather3A_69 : vector<16xf32>
      %add3A_71 = arith.addf %add3A_39, %mul3A_70 : vector<16xf32>
      %broadcast_in_dim3A_72 = arith.constant 6 : i32
      %broadcast_in_dim3A_73 = vector.broadcast %broadcast_in_dim3A_72 : i32 to vector<16xi32>
      %add3A_74 = arith.addi %add3A_11, %broadcast_in_dim3A_73 : vector<16xi32>
      %gather3A_75 = tpu.vector_load_idx %arg4[%add3A_74] : memref<5248xf32, #tpu.memory_space<vmem>>[vector<16xi32>], vector<16xf32>,
      %add3A_76 = arith.addi %add3A_17, %broadcast_in_dim3A_73 : vector<16xi32>
      %gather3A_77 = tpu.vector_load_idx %arg4[%add3A_76] : memref<5248xf32, #tpu.memory_space<vmem>>[vector<16xi32>], vector<16xf32>,
      %mul3A_78 = arith.mulf %gather3A_75, %gather3A_77 : vector<16xf32>
      %add3A_79 = arith.addf %add3A_47, %mul3A_78 : vector<16xf32>
      %broadcast_in_dim3A_80 = arith.constant 7 : i32
      %broadcast_in_dim3A_81 = vector.broadcast %broadcast_in_dim3A_80 : i32 to vector<16xi32>
      %add3A_82 = arith.addi %add3A_11, %broadcast_in_dim3A_81 : vector<16xi32>
      %gather3A_83 = tpu.vector_load_idx %arg4[%add3A_82] : memref<5248xf32, #tpu.memory_space<vmem>>[vector<16xi32>], vector<16xf32>,
      %add3A_84 = arith.addi %add3A_17, %broadcast_in_dim3A_81 : vector<16xi32>
      %gather3A_85 = tpu.vector_load_idx %arg4[%add3A_84] : memref<5248xf32, #tpu.memory_space<vmem>>[vector<16xi32>], vector<16xf32>,
      %mul3A_86 = arith.mulf %gather3A_83, %gather3A_85 : vector<16xf32>
      %add3A_87 = arith.addf %add3A_55, %mul3A_86 : vector<16xf32>
      %broadcast_in_dim3A_88 = arith.constant 8 : i32
      %broadcast_in_dim3A_89 = vector.broadcast %broadcast_in_dim3A_88 : i32 to vector<16xi32>
      %add3A_90 = arith.addi %add3A_11, %broadcast_in_dim3A_89 : vector<16xi32>
      %gather3A_91 = tpu.vector_load_idx %arg4[%add3A_90] : memref<5248xf32, #tpu.memory_space<vmem>>[vector<16xi32>], vector<16xf32>,
      %add3A_92 = arith.addi %add3A_17, %broadcast_in_dim3A_89 : vector<16xi32>
      %gather3A_93 = tpu.vector_load_idx %arg4[%add3A_92] : memref<5248xf32, #tpu.memory_space<vmem>>[vector<16xi32>], vector<16xf32>,
      %mul3A_94 = arith.mulf %gather3A_91, %gather3A_93 : vector<16xf32>
      %add3A_95 = arith.addf %add3A_63, %mul3A_94 : vector<16xf32>
      %broadcast_in_dim3A_96 = arith.constant 9 : i32
      %broadcast_in_dim3A_97 = vector.broadcast %broadcast_in_dim3A_96 : i32 to vector<16xi32>
      %add3A_98 = arith.addi %add3A_11, %broadcast_in_dim3A_97 : vector<16xi32>
      %gather3A_99 = tpu.vector_load_idx %arg4[%add3A_98] : memref<5248xf32, #tpu.memory_space<vmem>>[vector<16xi32>], vector<16xf32>,
      %add3A_100 = arith.addi %add3A_17, %broadcast_in_dim3A_97 : vector<16xi32>
      %gather3A_101 = tpu.vector_load_idx %arg4[%add3A_100] : memref<5248xf32, #tpu.memory_space<vmem>>[vector<16xi32>], vector<16xf32>,
      %mul3A_102 = arith.mulf %gather3A_99, %gather3A_101 : vector<16xf32>
      %add3A_103 = arith.addf %add3A_71, %mul3A_102 : vector<16xf32>
      %broadcast_in_dim3A_104 = arith.constant 10 : i32
      %broadcast_in_dim3A_105 = vector.broadcast %broadcast_in_dim3A_104 : i32 to vector<16xi32>
      %add3A_106 = arith.addi %add3A_11, %broadcast_in_dim3A_105 : vector<16xi32>
      %gather3A_107 = tpu.vector_load_idx %arg4[%add3A_106] : memref<5248xf32, #tpu.memory_space<vmem>>[vector<16xi32>], vector<16xf32>,
      %add3A_108 = arith.addi %add3A_17, %broadcast_in_dim3A_105 : vector<16xi32>
      %gather3A_109 = tpu.vector_load_idx %arg4[%add3A_108] : memref<5248xf32, #tpu.memory_space<vmem>>[vector<16xi32>], vector<16xf32>,
      %mul3A_110 = arith.mulf %gather3A_107, %gather3A_109 : vector<16xf32>
      %add3A_111 = arith.addf %add3A_79, %mul3A_110 : vector<16xf32>
      %broadcast_in_dim3A_112 = arith.constant 11 : i32
      %broadcast_in_dim3A_113 = vector.broadcast %broadcast_in_dim3A_112 : i32 to vector<16xi32>
      %add3A_114 = arith.addi %add3A_11, %broadcast_in_dim3A_113 : vector<16xi32>
      %gather3A_115 = tpu.vector_load_idx %arg4[%add3A_114] : memref<5248xf32, #tpu.memory_space<vmem>>[vector<16xi32>], vector<16xf32>,
      %add3A_116 = arith.addi %add3A_17, %broadcast_in_dim3A_113 : vector<16xi32>
      %gather3A_117 = tpu.vector_load_idx %arg4[%add3A_116] : memref<5248xf32, #tpu.memory_space<vmem>>[vector<16xi32>], vector<16xf32>,
      %mul3A_118 = arith.mulf %gather3A_115, %gather3A_117 : vector<16xf32>
      %add3A_119 = arith.addf %add3A_87, %mul3A_118 : vector<16xf32>
      %broadcast_in_dim3A_120 = arith.constant 12 : i32
      %broadcast_in_dim3A_121 = vector.broadcast %broadcast_in_dim3A_120 : i32 to vector<16xi32>
      %add3A_122 = arith.addi %add3A_11, %broadcast_in_dim3A_121 : vector<16xi32>
      %gather3A_123 = tpu.vector_load_idx %arg4[%add3A_122] : memref<5248xf32, #tpu.memory_space<vmem>>[vector<16xi32>], vector<16xf32>,
      %add3A_124 = arith.addi %add3A_17, %broadcast_in_dim3A_121 : vector<16xi32>
      %gather3A_125 = tpu.vector_load_idx %arg4[%add3A_124] : memref<5248xf32, #tpu.memory_space<vmem>>[vector<16xi32>], vector<16xf32>,
      %mul3A_126 = arith.mulf %gather3A_123, %gather3A_125 : vector<16xf32>
      %add3A_127 = arith.addf %add3A_95, %mul3A_126 : vector<16xf32>
      %broadcast_in_dim3A_128 = arith.constant 13 : i32
      %broadcast_in_dim3A_129 = vector.broadcast %broadcast_in_dim3A_128 : i32 to vector<16xi32>
      %add3A_130 = arith.addi %add3A_11, %broadcast_in_dim3A_129 : vector<16xi32>
      %gather3A_131 = tpu.vector_load_idx %arg4[%add3A_130] : memref<5248xf32, #tpu.memory_space<vmem>>[vector<16xi32>], vector<16xf32>,
      %add3A_132 = arith.addi %add3A_17, %broadcast_in_dim3A_129 : vector<16xi32>
      %gather3A_133 = tpu.vector_load_idx %arg4[%add3A_132] : memref<5248xf32, #tpu.memory_space<vmem>>[vector<16xi32>], vector<16xf32>,
      %mul3A_134 = arith.mulf %gather3A_131, %gather3A_133 : vector<16xf32>
      %add3A_135 = arith.addf %add3A_103, %mul3A_134 : vector<16xf32>
      %broadcast_in_dim3A_136 = arith.constant 14 : i32
      %broadcast_in_dim3A_137 = vector.broadcast %broadcast_in_dim3A_136 : i32 to vector<16xi32>
      %add3A_138 = arith.addi %add3A_11, %broadcast_in_dim3A_137 : vector<16xi32>
      %gather3A_139 = tpu.vector_load_idx %arg4[%add3A_138] : memref<5248xf32, #tpu.memory_space<vmem>>[vector<16xi32>], vector<16xf32>,
      %add3A_140 = arith.addi %add3A_17, %broadcast_in_dim3A_137 : vector<16xi32>
      %gather3A_141 = tpu.vector_load_idx %arg4[%add3A_140] : memref<5248xf32, #tpu.memory_space<vmem>>[vector<16xi32>], vector<16xf32>,
      %mul3A_142 = arith.mulf %gather3A_139, %gather3A_141 : vector<16xf32>
      %add3A_143 = arith.addf %add3A_111, %mul3A_142 : vector<16xf32>
      %broadcast_in_dim3A_144 = arith.constant 15 : i32
      %broadcast_in_dim3A_145 = vector.broadcast %broadcast_in_dim3A_144 : i32 to vector<16xi32>
      %add3A_146 = arith.addi %add3A_11, %broadcast_in_dim3A_145 : vector<16xi32>
      %gather3A_147 = tpu.vector_load_idx %arg4[%add3A_146] : memref<5248xf32, #tpu.memory_space<vmem>>[vector<16xi32>], vector<16xf32>,
      %add3A_148 = arith.addi %add3A_17, %broadcast_in_dim3A_145 : vector<16xi32>
      %gather3A_149 = tpu.vector_load_idx %arg4[%add3A_148] : memref<5248xf32, #tpu.memory_space<vmem>>[vector<16xi32>], vector<16xf32>,
      %mul3A_150 = arith.mulf %gather3A_147, %gather3A_149 : vector<16xf32>
      %add3A_151 = arith.addf %add3A_119, %mul3A_150 : vector<16xf32>
      %broadcast_in_dim3A_152 = arith.constant 16 : i32
      %broadcast_in_dim3A_153 = vector.broadcast %broadcast_in_dim3A_152 : i32 to vector<16xi32>
      %add3A_154 = arith.addi %add3A_11, %broadcast_in_dim3A_153 : vector<16xi32>
      %gather3A_155 = tpu.vector_load_idx %arg4[%add3A_154] : memref<5248xf32, #tpu.memory_space<vmem>>[vector<16xi32>], vector<16xf32>,
      %add3A_156 = arith.addi %add3A_17, %broadcast_in_dim3A_153 : vector<16xi32>
      %gather3A_157 = tpu.vector_load_idx %arg4[%add3A_156] : memref<5248xf32, #tpu.memory_space<vmem>>[vector<16xi32>], vector<16xf32>,
      %mul3A_158 = arith.mulf %gather3A_155, %gather3A_157 : vector<16xf32>
      %add3A_159 = arith.addf %add3A_127, %mul3A_158 : vector<16xf32>
      %broadcast_in_dim3A_160 = arith.constant 17 : i32
      %broadcast_in_dim3A_161 = vector.broadcast %broadcast_in_dim3A_160 : i32 to vector<16xi32>
      %add3A_162 = arith.addi %add3A_11, %broadcast_in_dim3A_161 : vector<16xi32>
      %gather3A_163 = tpu.vector_load_idx %arg4[%add3A_162] : memref<5248xf32, #tpu.memory_space<vmem>>[vector<16xi32>], vector<16xf32>,
      %add3A_164 = arith.addi %add3A_17, %broadcast_in_dim3A_161 : vector<16xi32>
      %gather3A_165 = tpu.vector_load_idx %arg4[%add3A_164] : memref<5248xf32, #tpu.memory_space<vmem>>[vector<16xi32>], vector<16xf32>,
      %mul3A_166 = arith.mulf %gather3A_163, %gather3A_165 : vector<16xf32>
      %add3A_167 = arith.addf %add3A_135, %mul3A_166 : vector<16xf32>
      %broadcast_in_dim3A_168 = arith.constant 18 : i32
      %broadcast_in_dim3A_169 = vector.broadcast %broadcast_in_dim3A_168 : i32 to vector<16xi32>
      %add3A_170 = arith.addi %add3A_11, %broadcast_in_dim3A_169 : vector<16xi32>
      %gather3A_171 = tpu.vector_load_idx %arg4[%add3A_170] : memref<5248xf32, #tpu.memory_space<vmem>>[vector<16xi32>], vector<16xf32>,
      %add3A_172 = arith.addi %add3A_17, %broadcast_in_dim3A_169 : vector<16xi32>
      %gather3A_173 = tpu.vector_load_idx %arg4[%add3A_172] : memref<5248xf32, #tpu.memory_space<vmem>>[vector<16xi32>], vector<16xf32>,
      %mul3A_174 = arith.mulf %gather3A_171, %gather3A_173 : vector<16xf32>
      %add3A_175 = arith.addf %add3A_143, %mul3A_174 : vector<16xf32>
      %broadcast_in_dim3A_176 = arith.constant 19 : i32
      %broadcast_in_dim3A_177 = vector.broadcast %broadcast_in_dim3A_176 : i32 to vector<16xi32>
      %add3A_178 = arith.addi %add3A_11, %broadcast_in_dim3A_177 : vector<16xi32>
      %gather3A_179 = tpu.vector_load_idx %arg4[%add3A_178] : memref<5248xf32, #tpu.memory_space<vmem>>[vector<16xi32>], vector<16xf32>,
      %add3A_180 = arith.addi %add3A_17, %broadcast_in_dim3A_177 : vector<16xi32>
      %gather3A_181 = tpu.vector_load_idx %arg4[%add3A_180] : memref<5248xf32, #tpu.memory_space<vmem>>[vector<16xi32>], vector<16xf32>,
      %mul3A_182 = arith.mulf %gather3A_179, %gather3A_181 : vector<16xf32>
      %add3A_183 = arith.addf %add3A_151, %mul3A_182 : vector<16xf32>
      %broadcast_in_dim3A_184 = arith.constant 20 : i32
      %broadcast_in_dim3A_185 = vector.broadcast %broadcast_in_dim3A_184 : i32 to vector<16xi32>
      %add3A_186 = arith.addi %add3A_11, %broadcast_in_dim3A_185 : vector<16xi32>
      %gather3A_187 = tpu.vector_load_idx %arg4[%add3A_186] : memref<5248xf32, #tpu.memory_space<vmem>>[vector<16xi32>], vector<16xf32>,
      %add3A_188 = arith.addi %add3A_17, %broadcast_in_dim3A_185 : vector<16xi32>
      %gather3A_189 = tpu.vector_load_idx %arg4[%add3A_188] : memref<5248xf32, #tpu.memory_space<vmem>>[vector<16xi32>], vector<16xf32>,
      %mul3A_190 = arith.mulf %gather3A_187, %gather3A_189 : vector<16xf32>
      %add3A_191 = arith.addf %add3A_159, %mul3A_190 : vector<16xf32>
      %broadcast_in_dim3A_192 = arith.constant 21 : i32
      %broadcast_in_dim3A_193 = vector.broadcast %broadcast_in_dim3A_192 : i32 to vector<16xi32>
      %add3A_194 = arith.addi %add3A_11, %broadcast_in_dim3A_193 : vector<16xi32>
      %gather3A_195 = tpu.vector_load_idx %arg4[%add3A_194] : memref<5248xf32, #tpu.memory_space<vmem>>[vector<16xi32>], vector<16xf32>,
      %add3A_196 = arith.addi %add3A_17, %broadcast_in_dim3A_193 : vector<16xi32>
      %gather3A_197 = tpu.vector_load_idx %arg4[%add3A_196] : memref<5248xf32, #tpu.memory_space<vmem>>[vector<16xi32>], vector<16xf32>,
      %mul3A_198 = arith.mulf %gather3A_195, %gather3A_197 : vector<16xf32>
      %add3A_199 = arith.addf %add3A_167, %mul3A_198 : vector<16xf32>
      %broadcast_in_dim3A_200 = arith.constant 22 : i32
      %broadcast_in_dim3A_201 = vector.broadcast %broadcast_in_dim3A_200 : i32 to vector<16xi32>
      %add3A_202 = arith.addi %add3A_11, %broadcast_in_dim3A_201 : vector<16xi32>
      %gather3A_203 = tpu.vector_load_idx %arg4[%add3A_202] : memref<5248xf32, #tpu.memory_space<vmem>>[vector<16xi32>], vector<16xf32>,
      %add3A_204 = arith.addi %add3A_17, %broadcast_in_dim3A_201 : vector<16xi32>
      %gather3A_205 = tpu.vector_load_idx %arg4[%add3A_204] : memref<5248xf32, #tpu.memory_space<vmem>>[vector<16xi32>], vector<16xf32>,
      %mul3A_206 = arith.mulf %gather3A_203, %gather3A_205 : vector<16xf32>
      %add3A_207 = arith.addf %add3A_175, %mul3A_206 : vector<16xf32>
      %broadcast_in_dim3A_208 = arith.constant 23 : i32
      %broadcast_in_dim3A_209 = vector.broadcast %broadcast_in_dim3A_208 : i32 to vector<16xi32>
      %add3A_210 = arith.addi %add3A_11, %broadcast_in_dim3A_209 : vector<16xi32>
      %gather3A_211 = tpu.vector_load_idx %arg4[%add3A_210] : memref<5248xf32, #tpu.memory_space<vmem>>[vector<16xi32>], vector<16xf32>,
      %add3A_212 = arith.addi %add3A_17, %broadcast_in_dim3A_209 : vector<16xi32>
      %gather3A_213 = tpu.vector_load_idx %arg4[%add3A_212] : memref<5248xf32, #tpu.memory_space<vmem>>[vector<16xi32>], vector<16xf32>,
      %mul3A_214 = arith.mulf %gather3A_211, %gather3A_213 : vector<16xf32>
      %add3A_215 = arith.addf %add3A_183, %mul3A_214 : vector<16xf32>
      %broadcast_in_dim3A_216 = arith.constant 24 : i32
      %broadcast_in_dim3A_217 = vector.broadcast %broadcast_in_dim3A_216 : i32 to vector<16xi32>
      %add3A_218 = arith.addi %add3A_11, %broadcast_in_dim3A_217 : vector<16xi32>
      %gather3A_219 = tpu.vector_load_idx %arg4[%add3A_218] : memref<5248xf32, #tpu.memory_space<vmem>>[vector<16xi32>], vector<16xf32>,
      %add3A_220 = arith.addi %add3A_17, %broadcast_in_dim3A_217 : vector<16xi32>
      %gather3A_221 = tpu.vector_load_idx %arg4[%add3A_220] : memref<5248xf32, #tpu.memory_space<vmem>>[vector<16xi32>], vector<16xf32>,
      %mul3A_222 = arith.mulf %gather3A_219, %gather3A_221 : vector<16xf32>
      %add3A_223 = arith.addf %add3A_191, %mul3A_222 : vector<16xf32>
      %broadcast_in_dim3A_224 = arith.constant 25 : i32
      %broadcast_in_dim3A_225 = vector.broadcast %broadcast_in_dim3A_224 : i32 to vector<16xi32>
      %add3A_226 = arith.addi %add3A_11, %broadcast_in_dim3A_225 : vector<16xi32>
      %gather3A_227 = tpu.vector_load_idx %arg4[%add3A_226] : memref<5248xf32, #tpu.memory_space<vmem>>[vector<16xi32>], vector<16xf32>,
      %add3A_228 = arith.addi %add3A_17, %broadcast_in_dim3A_225 : vector<16xi32>
      %gather3A_229 = tpu.vector_load_idx %arg4[%add3A_228] : memref<5248xf32, #tpu.memory_space<vmem>>[vector<16xi32>], vector<16xf32>,
      %mul3A_230 = arith.mulf %gather3A_227, %gather3A_229 : vector<16xf32>
      %add3A_231 = arith.addf %add3A_199, %mul3A_230 : vector<16xf32>
      %broadcast_in_dim3A_232 = arith.constant 26 : i32
      %broadcast_in_dim3A_233 = vector.broadcast %broadcast_in_dim3A_232 : i32 to vector<16xi32>
      %add3A_234 = arith.addi %add3A_11, %broadcast_in_dim3A_233 : vector<16xi32>
      %gather3A_235 = tpu.vector_load_idx %arg4[%add3A_234] : memref<5248xf32, #tpu.memory_space<vmem>>[vector<16xi32>], vector<16xf32>,
      %add3A_236 = arith.addi %add3A_17, %broadcast_in_dim3A_233 : vector<16xi32>
      %gather3A_237 = tpu.vector_load_idx %arg4[%add3A_236] : memref<5248xf32, #tpu.memory_space<vmem>>[vector<16xi32>], vector<16xf32>,
      %mul3A_238 = arith.mulf %gather3A_235, %gather3A_237 : vector<16xf32>
      %add3A_239 = arith.addf %add3A_207, %mul3A_238 : vector<16xf32>
      %broadcast_in_dim3A_240 = arith.constant 27 : i32
      %broadcast_in_dim3A_241 = vector.broadcast %broadcast_in_dim3A_240 : i32 to vector<16xi32>
      %add3A_242 = arith.addi %add3A_11, %broadcast_in_dim3A_241 : vector<16xi32>
      %gather3A_243 = tpu.vector_load_idx %arg4[%add3A_242] : memref<5248xf32, #tpu.memory_space<vmem>>[vector<16xi32>], vector<16xf32>,
      %add3A_244 = arith.addi %add3A_17, %broadcast_in_dim3A_241 : vector<16xi32>
      %gather3A_245 = tpu.vector_load_idx %arg4[%add3A_244] : memref<5248xf32, #tpu.memory_space<vmem>>[vector<16xi32>], vector<16xf32>,
      %mul3A_246 = arith.mulf %gather3A_243, %gather3A_245 : vector<16xf32>
      %add3A_247 = arith.addf %add3A_215, %mul3A_246 : vector<16xf32>
      %broadcast_in_dim3A_248 = arith.constant 28 : i32
      %broadcast_in_dim3A_249 = vector.broadcast %broadcast_in_dim3A_248 : i32 to vector<16xi32>
      %add3A_250 = arith.addi %add3A_11, %broadcast_in_dim3A_249 : vector<16xi32>
      %gather3A_251 = tpu.vector_load_idx %arg4[%add3A_250] : memref<5248xf32, #tpu.memory_space<vmem>>[vector<16xi32>], vector<16xf32>,
      %add3A_252 = arith.addi %add3A_17, %broadcast_in_dim3A_249 : vector<16xi32>
      %gather3A_253 = tpu.vector_load_idx %arg4[%add3A_252] : memref<5248xf32, #tpu.memory_space<vmem>>[vector<16xi32>], vector<16xf32>,
      %mul3A_254 = arith.mulf %gather3A_251, %gather3A_253 : vector<16xf32>
      %add3A_255 = arith.addf %add3A_223, %mul3A_254 : vector<16xf32>
      %broadcast_in_dim3A_256 = arith.constant 29 : i32
      %broadcast_in_dim3A_257 = vector.broadcast %broadcast_in_dim3A_256 : i32 to vector<16xi32>
      %add3A_258 = arith.addi %add3A_11, %broadcast_in_dim3A_257 : vector<16xi32>
      %gather3A_259 = tpu.vector_load_idx %arg4[%add3A_258] : memref<5248xf32, #tpu.memory_space<vmem>>[vector<16xi32>], vector<16xf32>,
      %add3A_260 = arith.addi %add3A_17, %broadcast_in_dim3A_257 : vector<16xi32>
      %gather3A_261 = tpu.vector_load_idx %arg4[%add3A_260] : memref<5248xf32, #tpu.memory_space<vmem>>[vector<16xi32>], vector<16xf32>,
      %mul3A_262 = arith.mulf %gather3A_259, %gather3A_261 : vector<16xf32>
      %add3A_263 = arith.addf %add3A_231, %mul3A_262 : vector<16xf32>
      %broadcast_in_dim3A_264 = arith.constant 30 : i32
      %broadcast_in_dim3A_265 = vector.broadcast %broadcast_in_dim3A_264 : i32 to vector<16xi32>
      %add3A_266 = arith.addi %add3A_11, %broadcast_in_dim3A_265 : vector<16xi32>
      %gather3A_267 = tpu.vector_load_idx %arg4[%add3A_266] : memref<5248xf32, #tpu.memory_space<vmem>>[vector<16xi32>], vector<16xf32>,
      %add3A_268 = arith.addi %add3A_17, %broadcast_in_dim3A_265 : vector<16xi32>
      %gather3A_269 = tpu.vector_load_idx %arg4[%add3A_268] : memref<5248xf32, #tpu.memory_space<vmem>>[vector<16xi32>], vector<16xf32>,
      %mul3A_270 = arith.mulf %gather3A_267, %gather3A_269 : vector<16xf32>
      %add3A_271 = arith.addf %add3A_239, %mul3A_270 : vector<16xf32>
      %broadcast_in_dim3A_272 = arith.constant 31 : i32
      %broadcast_in_dim3A_273 = vector.broadcast %broadcast_in_dim3A_272 : i32 to vector<16xi32>
      %add3A_274 = arith.addi %add3A_11, %broadcast_in_dim3A_273 : vector<16xi32>
      %gather3A_275 = tpu.vector_load_idx %arg4[%add3A_274] : memref<5248xf32, #tpu.memory_space<vmem>>[vector<16xi32>], vector<16xf32>,
      %add3A_276 = arith.addi %add3A_17, %broadcast_in_dim3A_273 : vector<16xi32>
      %gather3A_277 = tpu.vector_load_idx %arg4[%add3A_276] : memref<5248xf32, #tpu.memory_space<vmem>>[vector<16xi32>], vector<16xf32>,
      %mul3A_278 = arith.mulf %gather3A_275, %gather3A_277 : vector<16xf32>
      %add3A_279 = arith.addf %add3A_247, %mul3A_278 : vector<16xf32>
      %broadcast_in_dim3A_280 = arith.constant 32 : i32
      %broadcast_in_dim3A_281 = vector.broadcast %broadcast_in_dim3A_280 : i32 to vector<16xi32>
      %add3A_282 = arith.addi %add3A_11, %broadcast_in_dim3A_281 : vector<16xi32>
      %gather3A_283 = tpu.vector_load_idx %arg4[%add3A_282] : memref<5248xf32, #tpu.memory_space<vmem>>[vector<16xi32>], vector<16xf32>,
      %add3A_284 = arith.addi %add3A_17, %broadcast_in_dim3A_281 : vector<16xi32>
      %gather3A_285 = tpu.vector_load_idx %arg4[%add3A_284] : memref<5248xf32, #tpu.memory_space<vmem>>[vector<16xi32>], vector<16xf32>,
      %mul3A_286 = arith.mulf %gather3A_283, %gather3A_285 : vector<16xf32>
      %add3A_287 = arith.addf %add3A_255, %mul3A_286 : vector<16xf32>
      %broadcast_in_dim3A_288 = arith.constant 33 : i32
      %broadcast_in_dim3A_289 = vector.broadcast %broadcast_in_dim3A_288 : i32 to vector<16xi32>
      %add3A_290 = arith.addi %add3A_11, %broadcast_in_dim3A_289 : vector<16xi32>
      %gather3A_291 = tpu.vector_load_idx %arg4[%add3A_290] : memref<5248xf32, #tpu.memory_space<vmem>>[vector<16xi32>], vector<16xf32>,
      %add3A_292 = arith.addi %add3A_17, %broadcast_in_dim3A_289 : vector<16xi32>
      %gather3A_293 = tpu.vector_load_idx %arg4[%add3A_292] : memref<5248xf32, #tpu.memory_space<vmem>>[vector<16xi32>], vector<16xf32>,
      %mul3A_294 = arith.mulf %gather3A_291, %gather3A_293 : vector<16xf32>
      %add3A_295 = arith.addf %add3A_263, %mul3A_294 : vector<16xf32>
      %broadcast_in_dim3A_296 = arith.constant 34 : i32
      %broadcast_in_dim3A_297 = vector.broadcast %broadcast_in_dim3A_296 : i32 to vector<16xi32>
      %add3A_298 = arith.addi %add3A_11, %broadcast_in_dim3A_297 : vector<16xi32>
      %gather3A_299 = tpu.vector_load_idx %arg4[%add3A_298] : memref<5248xf32, #tpu.memory_space<vmem>>[vector<16xi32>], vector<16xf32>,
      %add3A_300 = arith.addi %add3A_17, %broadcast_in_dim3A_297 : vector<16xi32>
      %gather3A_301 = tpu.vector_load_idx %arg4[%add3A_300] : memref<5248xf32, #tpu.memory_space<vmem>>[vector<16xi32>], vector<16xf32>,
      %mul3A_302 = arith.mulf %gather3A_299, %gather3A_301 : vector<16xf32>
      %add3A_303 = arith.addf %add3A_271, %mul3A_302 : vector<16xf32>
      %broadcast_in_dim3A_304 = arith.constant 35 : i32
      %broadcast_in_dim3A_305 = vector.broadcast %broadcast_in_dim3A_304 : i32 to vector<16xi32>
      %add3A_306 = arith.addi %add3A_11, %broadcast_in_dim3A_305 : vector<16xi32>
      %gather3A_307 = tpu.vector_load_idx %arg4[%add3A_306] : memref<5248xf32, #tpu.memory_space<vmem>>[vector<16xi32>], vector<16xf32>,
      %add3A_308 = arith.addi %add3A_17, %broadcast_in_dim3A_305 : vector<16xi32>
      %gather3A_309 = tpu.vector_load_idx %arg4[%add3A_308] : memref<5248xf32, #tpu.memory_space<vmem>>[vector<16xi32>], vector<16xf32>,
      %mul3A_310 = arith.mulf %gather3A_307, %gather3A_309 : vector<16xf32>
      %add3A_311 = arith.addf %add3A_279, %mul3A_310 : vector<16xf32>
      %broadcast_in_dim3A_312 = arith.constant 36 : i32
      %broadcast_in_dim3A_313 = vector.broadcast %broadcast_in_dim3A_312 : i32 to vector<16xi32>
      %add3A_314 = arith.addi %add3A_11, %broadcast_in_dim3A_313 : vector<16xi32>
      %gather3A_315 = tpu.vector_load_idx %arg4[%add3A_314] : memref<5248xf32, #tpu.memory_space<vmem>>[vector<16xi32>], vector<16xf32>,
      %add3A_316 = arith.addi %add3A_17, %broadcast_in_dim3A_313 : vector<16xi32>
      %gather3A_317 = tpu.vector_load_idx %arg4[%add3A_316] : memref<5248xf32, #tpu.memory_space<vmem>>[vector<16xi32>], vector<16xf32>,
      %mul3A_318 = arith.mulf %gather3A_315, %gather3A_317 : vector<16xf32>
      %add3A_319 = arith.addf %add3A_287, %mul3A_318 : vector<16xf32>
      %broadcast_in_dim3A_320 = arith.constant 37 : i32
      %broadcast_in_dim3A_321 = vector.broadcast %broadcast_in_dim3A_320 : i32 to vector<16xi32>
      %add3A_322 = arith.addi %add3A_11, %broadcast_in_dim3A_321 : vector<16xi32>
      %gather3A_323 = tpu.vector_load_idx %arg4[%add3A_322] : memref<5248xf32, #tpu.memory_space<vmem>>[vector<16xi32>], vector<16xf32>,
      %add3A_324 = arith.addi %add3A_17, %broadcast_in_dim3A_321 : vector<16xi32>
      %gather3A_325 = tpu.vector_load_idx %arg4[%add3A_324] : memref<5248xf32, #tpu.memory_space<vmem>>[vector<16xi32>], vector<16xf32>,
      %mul3A_326 = arith.mulf %gather3A_323, %gather3A_325 : vector<16xf32>
      %add3A_327 = arith.addf %add3A_295, %mul3A_326 : vector<16xf32>
      %broadcast_in_dim3A_328 = arith.constant 38 : i32
      %broadcast_in_dim3A_329 = vector.broadcast %broadcast_in_dim3A_328 : i32 to vector<16xi32>
      %add3A_330 = arith.addi %add3A_11, %broadcast_in_dim3A_329 : vector<16xi32>
      %gather3A_331 = tpu.vector_load_idx %arg4[%add3A_330] : memref<5248xf32, #tpu.memory_space<vmem>>[vector<16xi32>], vector<16xf32>,
      %add3A_332 = arith.addi %add3A_17, %broadcast_in_dim3A_329 : vector<16xi32>
      %gather3A_333 = tpu.vector_load_idx %arg4[%add3A_332] : memref<5248xf32, #tpu.memory_space<vmem>>[vector<16xi32>], vector<16xf32>,
      %mul3A_334 = arith.mulf %gather3A_331, %gather3A_333 : vector<16xf32>
      %add3A_335 = arith.addf %add3A_303, %mul3A_334 : vector<16xf32>
      %broadcast_in_dim3A_336 = arith.constant 39 : i32
      %broadcast_in_dim3A_337 = vector.broadcast %broadcast_in_dim3A_336 : i32 to vector<16xi32>
      %add3A_338 = arith.addi %add3A_11, %broadcast_in_dim3A_337 : vector<16xi32>
      %gather3A_339 = tpu.vector_load_idx %arg4[%add3A_338] : memref<5248xf32, #tpu.memory_space<vmem>>[vector<16xi32>], vector<16xf32>,
      %add3A_340 = arith.addi %add3A_17, %broadcast_in_dim3A_337 : vector<16xi32>
      %gather3A_341 = tpu.vector_load_idx %arg4[%add3A_340] : memref<5248xf32, #tpu.memory_space<vmem>>[vector<16xi32>], vector<16xf32>,
      %mul3A_342 = arith.mulf %gather3A_339, %gather3A_341 : vector<16xf32>
      %add3A_343 = arith.addf %add3A_311, %mul3A_342 : vector<16xf32>
      %broadcast_in_dim3A_344 = arith.constant 40 : i32
      %broadcast_in_dim3A_345 = vector.broadcast %broadcast_in_dim3A_344 : i32 to vector<16xi32>
      %add3A_346 = arith.addi %add3A_11, %broadcast_in_dim3A_345 : vector<16xi32>
      %gather3A_347 = tpu.vector_load_idx %arg4[%add3A_346] : memref<5248xf32, #tpu.memory_space<vmem>>[vector<16xi32>], vector<16xf32>,
      %add3A_348 = arith.addi %add3A_17, %broadcast_in_dim3A_345 : vector<16xi32>
      %gather3A_349 = tpu.vector_load_idx %arg4[%add3A_348] : memref<5248xf32, #tpu.memory_space<vmem>>[vector<16xi32>], vector<16xf32>,
      %mul3A_350 = arith.mulf %gather3A_347, %gather3A_349 : vector<16xf32>
      %add3A_351 = arith.addf %add3A_319, %mul3A_350 : vector<16xf32>
      %broadcast_in_dim3A_352 = arith.constant 41 : i32
      %broadcast_in_dim3A_353 = vector.broadcast %broadcast_in_dim3A_352 : i32 to vector<16xi32>
      %add3A_354 = arith.addi %add3A_11, %broadcast_in_dim3A_353 : vector<16xi32>
      %gather3A_355 = tpu.vector_load_idx %arg4[%add3A_354] : memref<5248xf32, #tpu.memory_space<vmem>>[vector<16xi32>], vector<16xf32>,
      %add3A_356 = arith.addi %add3A_17, %broadcast_in_dim3A_353 : vector<16xi32>
      %gather3A_357 = tpu.vector_load_idx %arg4[%add3A_356] : memref<5248xf32, #tpu.memory_space<vmem>>[vector<16xi32>], vector<16xf32>,
      %mul3A_358 = arith.mulf %gather3A_355, %gather3A_357 : vector<16xf32>
      %add3A_359 = arith.addf %add3A_327, %mul3A_358 : vector<16xf32>
      %broadcast_in_dim3A_360 = arith.constant 42 : i32
      %broadcast_in_dim3A_361 = vector.broadcast %broadcast_in_dim3A_360 : i32 to vector<16xi32>
      %add3A_362 = arith.addi %add3A_11, %broadcast_in_dim3A_361 : vector<16xi32>
      %gather3A_363 = tpu.vector_load_idx %arg4[%add3A_362] : memref<5248xf32, #tpu.memory_space<vmem>>[vector<16xi32>], vector<16xf32>,
      %add3A_364 = arith.addi %add3A_17, %broadcast_in_dim3A_361 : vector<16xi32>
      %gather3A_365 = tpu.vector_load_idx %arg4[%add3A_364] : memref<5248xf32, #tpu.memory_space<vmem>>[vector<16xi32>], vector<16xf32>,
      %mul3A_366 = arith.mulf %gather3A_363, %gather3A_365 : vector<16xf32>
      %add3A_367 = arith.addf %add3A_335, %mul3A_366 : vector<16xf32>
      %broadcast_in_dim3A_368 = arith.constant 43 : i32
      %broadcast_in_dim3A_369 = vector.broadcast %broadcast_in_dim3A_368 : i32 to vector<16xi32>
      %add3A_370 = arith.addi %add3A_11, %broadcast_in_dim3A_369 : vector<16xi32>
      %gather3A_371 = tpu.vector_load_idx %arg4[%add3A_370] : memref<5248xf32, #tpu.memory_space<vmem>>[vector<16xi32>], vector<16xf32>,
      %add3A_372 = arith.addi %add3A_17, %broadcast_in_dim3A_369 : vector<16xi32>
      %gather3A_373 = tpu.vector_load_idx %arg4[%add3A_372] : memref<5248xf32, #tpu.memory_space<vmem>>[vector<16xi32>], vector<16xf32>,
      %mul3A_374 = arith.mulf %gather3A_371, %gather3A_373 : vector<16xf32>
      %add3A_375 = arith.addf %add3A_343, %mul3A_374 : vector<16xf32>
      %broadcast_in_dim3A_376 = arith.constant 44 : i32
      %broadcast_in_dim3A_377 = vector.broadcast %broadcast_in_dim3A_376 : i32 to vector<16xi32>
      %add3A_378 = arith.addi %add3A_11, %broadcast_in_dim3A_377 : vector<16xi32>
      %gather3A_379 = tpu.vector_load_idx %arg4[%add3A_378] : memref<5248xf32, #tpu.memory_space<vmem>>[vector<16xi32>], vector<16xf32>,
      %add3A_380 = arith.addi %add3A_17, %broadcast_in_dim3A_377 : vector<16xi32>
      %gather3A_381 = tpu.vector_load_idx %arg4[%add3A_380] : memref<5248xf32, #tpu.memory_space<vmem>>[vector<16xi32>], vector<16xf32>,
      %mul3A_382 = arith.mulf %gather3A_379, %gather3A_381 : vector<16xf32>
      %add3A_383 = arith.addf %add3A_351, %mul3A_382 : vector<16xf32>
      %broadcast_in_dim3A_384 = arith.constant 45 : i32
      %broadcast_in_dim3A_385 = vector.broadcast %broadcast_in_dim3A_384 : i32 to vector<16xi32>
      %add3A_386 = arith.addi %add3A_11, %broadcast_in_dim3A_385 : vector<16xi32>
      %gather3A_387 = tpu.vector_load_idx %arg4[%add3A_386] : memref<5248xf32, #tpu.memory_space<vmem>>[vector<16xi32>], vector<16xf32>,
      %add3A_388 = arith.addi %add3A_17, %broadcast_in_dim3A_385 : vector<16xi32>
      %gather3A_389 = tpu.vector_load_idx %arg4[%add3A_388] : memref<5248xf32, #tpu.memory_space<vmem>>[vector<16xi32>], vector<16xf32>,
      %mul3A_390 = arith.mulf %gather3A_387, %gather3A_389 : vector<16xf32>
      %add3A_391 = arith.addf %add3A_359, %mul3A_390 : vector<16xf32>
      %broadcast_in_dim3A_392 = arith.constant 46 : i32
      %broadcast_in_dim3A_393 = vector.broadcast %broadcast_in_dim3A_392 : i32 to vector<16xi32>
      %add3A_394 = arith.addi %add3A_11, %broadcast_in_dim3A_393 : vector<16xi32>
      %gather3A_395 = tpu.vector_load_idx %arg4[%add3A_394] : memref<5248xf32, #tpu.memory_space<vmem>>[vector<16xi32>], vector<16xf32>,
      %add3A_396 = arith.addi %add3A_17, %broadcast_in_dim3A_393 : vector<16xi32>
      %gather3A_397 = tpu.vector_load_idx %arg4[%add3A_396] : memref<5248xf32, #tpu.memory_space<vmem>>[vector<16xi32>], vector<16xf32>,
      %mul3A_398 = arith.mulf %gather3A_395, %gather3A_397 : vector<16xf32>
      %add3A_399 = arith.addf %add3A_367, %mul3A_398 : vector<16xf32>
      %broadcast_in_dim3A_400 = arith.constant 47 : i32
      %broadcast_in_dim3A_401 = vector.broadcast %broadcast_in_dim3A_400 : i32 to vector<16xi32>
      %add3A_402 = arith.addi %add3A_11, %broadcast_in_dim3A_401 : vector<16xi32>
      %gather3A_403 = tpu.vector_load_idx %arg4[%add3A_402] : memref<5248xf32, #tpu.memory_space<vmem>>[vector<16xi32>], vector<16xf32>,
      %add3A_404 = arith.addi %add3A_17, %broadcast_in_dim3A_401 : vector<16xi32>
      %gather3A_405 = tpu.vector_load_idx %arg4[%add3A_404] : memref<5248xf32, #tpu.memory_space<vmem>>[vector<16xi32>], vector<16xf32>,
      %mul3A_406 = arith.mulf %gather3A_403, %gather3A_405 : vector<16xf32>
      %add3A_407 = arith.addf %add3A_375, %mul3A_406 : vector<16xf32>
      %broadcast_in_dim3A_408 = arith.constant 48 : i32
      %broadcast_in_dim3A_409 = vector.broadcast %broadcast_in_dim3A_408 : i32 to vector<16xi32>
      %add3A_410 = arith.addi %add3A_11, %broadcast_in_dim3A_409 : vector<16xi32>
      %gather3A_411 = tpu.vector_load_idx %arg4[%add3A_410] : memref<5248xf32, #tpu.memory_space<vmem>>[vector<16xi32>], vector<16xf32>,
      %add3A_412 = arith.addi %add3A_17, %broadcast_in_dim3A_409 : vector<16xi32>
      %gather3A_413 = tpu.vector_load_idx %arg4[%add3A_412] : memref<5248xf32, #tpu.memory_space<vmem>>[vector<16xi32>], vector<16xf32>,
      %mul3A_414 = arith.mulf %gather3A_411, %gather3A_413 : vector<16xf32>
      %add3A_415 = arith.addf %add3A_383, %mul3A_414 : vector<16xf32>
      %broadcast_in_dim3A_416 = arith.constant 49 : i32
      %broadcast_in_dim3A_417 = vector.broadcast %broadcast_in_dim3A_416 : i32 to vector<16xi32>
      %add3A_418 = arith.addi %add3A_11, %broadcast_in_dim3A_417 : vector<16xi32>
      %gather3A_419 = tpu.vector_load_idx %arg4[%add3A_418] : memref<5248xf32, #tpu.memory_space<vmem>>[vector<16xi32>], vector<16xf32>,
      %add3A_420 = arith.addi %add3A_17, %broadcast_in_dim3A_417 : vector<16xi32>
      %gather3A_421 = tpu.vector_load_idx %arg4[%add3A_420] : memref<5248xf32, #tpu.memory_space<vmem>>[vector<16xi32>], vector<16xf32>,
      %mul3A_422 = arith.mulf %gather3A_419, %gather3A_421 : vector<16xf32>
      %add3A_423 = arith.addf %add3A_391, %mul3A_422 : vector<16xf32>
      %broadcast_in_dim3A_424 = arith.constant 50 : i32
      %broadcast_in_dim3A_425 = vector.broadcast %broadcast_in_dim3A_424 : i32 to vector<16xi32>
      %add3A_426 = arith.addi %add3A_11, %broadcast_in_dim3A_425 : vector<16xi32>
      %gather3A_427 = tpu.vector_load_idx %arg4[%add3A_426] : memref<5248xf32, #tpu.memory_space<vmem>>[vector<16xi32>], vector<16xf32>,
      %add3A_428 = arith.addi %add3A_17, %broadcast_in_dim3A_425 : vector<16xi32>
      %gather3A_429 = tpu.vector_load_idx %arg4[%add3A_428] : memref<5248xf32, #tpu.memory_space<vmem>>[vector<16xi32>], vector<16xf32>,
      %mul3A_430 = arith.mulf %gather3A_427, %gather3A_429 : vector<16xf32>
      %add3A_431 = arith.addf %add3A_399, %mul3A_430 : vector<16xf32>
      %broadcast_in_dim3A_432 = arith.constant 51 : i32
      %broadcast_in_dim3A_433 = vector.broadcast %broadcast_in_dim3A_432 : i32 to vector<16xi32>
      %add3A_434 = arith.addi %add3A_11, %broadcast_in_dim3A_433 : vector<16xi32>
      %gather3A_435 = tpu.vector_load_idx %arg4[%add3A_434] : memref<5248xf32, #tpu.memory_space<vmem>>[vector<16xi32>], vector<16xf32>,
      %add3A_436 = arith.addi %add3A_17, %broadcast_in_dim3A_433 : vector<16xi32>
      %gather3A_437 = tpu.vector_load_idx %arg4[%add3A_436] : memref<5248xf32, #tpu.memory_space<vmem>>[vector<16xi32>], vector<16xf32>,
      %mul3A_438 = arith.mulf %gather3A_435, %gather3A_437 : vector<16xf32>
      %add3A_439 = arith.addf %add3A_407, %mul3A_438 : vector<16xf32>
      %broadcast_in_dim3A_440 = arith.constant 52 : i32
      %broadcast_in_dim3A_441 = vector.broadcast %broadcast_in_dim3A_440 : i32 to vector<16xi32>
      %add3A_442 = arith.addi %add3A_11, %broadcast_in_dim3A_441 : vector<16xi32>
      %gather3A_443 = tpu.vector_load_idx %arg4[%add3A_442] : memref<5248xf32, #tpu.memory_space<vmem>>[vector<16xi32>], vector<16xf32>,
      %add3A_444 = arith.addi %add3A_17, %broadcast_in_dim3A_441 : vector<16xi32>
      %gather3A_445 = tpu.vector_load_idx %arg4[%add3A_444] : memref<5248xf32, #tpu.memory_space<vmem>>[vector<16xi32>], vector<16xf32>,
      %mul3A_446 = arith.mulf %gather3A_443, %gather3A_445 : vector<16xf32>
      %add3A_447 = arith.addf %add3A_415, %mul3A_446 : vector<16xf32>
      %broadcast_in_dim3A_448 = arith.constant 53 : i32
      %broadcast_in_dim3A_449 = vector.broadcast %broadcast_in_dim3A_448 : i32 to vector<16xi32>
      %add3A_450 = arith.addi %add3A_11, %broadcast_in_dim3A_449 : vector<16xi32>
      %gather3A_451 = tpu.vector_load_idx %arg4[%add3A_450] : memref<5248xf32, #tpu.memory_space<vmem>>[vector<16xi32>], vector<16xf32>,
      %add3A_452 = arith.addi %add3A_17, %broadcast_in_dim3A_449 : vector<16xi32>
      %gather3A_453 = tpu.vector_load_idx %arg4[%add3A_452] : memref<5248xf32, #tpu.memory_space<vmem>>[vector<16xi32>], vector<16xf32>,
      %mul3A_454 = arith.mulf %gather3A_451, %gather3A_453 : vector<16xf32>
      %add3A_455 = arith.addf %add3A_423, %mul3A_454 : vector<16xf32>
      %broadcast_in_dim3A_456 = arith.constant 54 : i32
      %broadcast_in_dim3A_457 = vector.broadcast %broadcast_in_dim3A_456 : i32 to vector<16xi32>
      %add3A_458 = arith.addi %add3A_11, %broadcast_in_dim3A_457 : vector<16xi32>
      %gather3A_459 = tpu.vector_load_idx %arg4[%add3A_458] : memref<5248xf32, #tpu.memory_space<vmem>>[vector<16xi32>], vector<16xf32>,
      %add3A_460 = arith.addi %add3A_17, %broadcast_in_dim3A_457 : vector<16xi32>
      %gather3A_461 = tpu.vector_load_idx %arg4[%add3A_460] : memref<5248xf32, #tpu.memory_space<vmem>>[vector<16xi32>], vector<16xf32>,
      %mul3A_462 = arith.mulf %gather3A_459, %gather3A_461 : vector<16xf32>
      %add3A_463 = arith.addf %add3A_431, %mul3A_462 : vector<16xf32>
      %broadcast_in_dim3A_464 = arith.constant 55 : i32
      %broadcast_in_dim3A_465 = vector.broadcast %broadcast_in_dim3A_464 : i32 to vector<16xi32>
      %add3A_466 = arith.addi %add3A_11, %broadcast_in_dim3A_465 : vector<16xi32>
      %gather3A_467 = tpu.vector_load_idx %arg4[%add3A_466] : memref<5248xf32, #tpu.memory_space<vmem>>[vector<16xi32>], vector<16xf32>,
      %add3A_468 = arith.addi %add3A_17, %broadcast_in_dim3A_465 : vector<16xi32>
      %gather3A_469 = tpu.vector_load_idx %arg4[%add3A_468] : memref<5248xf32, #tpu.memory_space<vmem>>[vector<16xi32>], vector<16xf32>,
      %mul3A_470 = arith.mulf %gather3A_467, %gather3A_469 : vector<16xf32>
      %add3A_471 = arith.addf %add3A_439, %mul3A_470 : vector<16xf32>
      %broadcast_in_dim3A_472 = arith.constant 56 : i32
      %broadcast_in_dim3A_473 = vector.broadcast %broadcast_in_dim3A_472 : i32 to vector<16xi32>
      %add3A_474 = arith.addi %add3A_11, %broadcast_in_dim3A_473 : vector<16xi32>
      %gather3A_475 = tpu.vector_load_idx %arg4[%add3A_474] : memref<5248xf32, #tpu.memory_space<vmem>>[vector<16xi32>], vector<16xf32>,
      %add3A_476 = arith.addi %add3A_17, %broadcast_in_dim3A_473 : vector<16xi32>
      %gather3A_477 = tpu.vector_load_idx %arg4[%add3A_476] : memref<5248xf32, #tpu.memory_space<vmem>>[vector<16xi32>], vector<16xf32>,
      %mul3A_478 = arith.mulf %gather3A_475, %gather3A_477 : vector<16xf32>
      %add3A_479 = arith.addf %add3A_447, %mul3A_478 : vector<16xf32>
      %broadcast_in_dim3A_480 = arith.constant 57 : i32
      %broadcast_in_dim3A_481 = vector.broadcast %broadcast_in_dim3A_480 : i32 to vector<16xi32>
      %add3A_482 = arith.addi %add3A_11, %broadcast_in_dim3A_481 : vector<16xi32>
      %gather3A_483 = tpu.vector_load_idx %arg4[%add3A_482] : memref<5248xf32, #tpu.memory_space<vmem>>[vector<16xi32>], vector<16xf32>,
      %add3A_484 = arith.addi %add3A_17, %broadcast_in_dim3A_481 : vector<16xi32>
      %gather3A_485 = tpu.vector_load_idx %arg4[%add3A_484] : memref<5248xf32, #tpu.memory_space<vmem>>[vector<16xi32>], vector<16xf32>,
      %mul3A_486 = arith.mulf %gather3A_483, %gather3A_485 : vector<16xf32>
      %add3A_487 = arith.addf %add3A_455, %mul3A_486 : vector<16xf32>
      %broadcast_in_dim3A_488 = arith.constant 58 : i32
      %broadcast_in_dim3A_489 = vector.broadcast %broadcast_in_dim3A_488 : i32 to vector<16xi32>
      %add3A_490 = arith.addi %add3A_11, %broadcast_in_dim3A_489 : vector<16xi32>
      %gather3A_491 = tpu.vector_load_idx %arg4[%add3A_490] : memref<5248xf32, #tpu.memory_space<vmem>>[vector<16xi32>], vector<16xf32>,
      %add3A_492 = arith.addi %add3A_17, %broadcast_in_dim3A_489 : vector<16xi32>
      %gather3A_493 = tpu.vector_load_idx %arg4[%add3A_492] : memref<5248xf32, #tpu.memory_space<vmem>>[vector<16xi32>], vector<16xf32>,
      %mul3A_494 = arith.mulf %gather3A_491, %gather3A_493 : vector<16xf32>
      %add3A_495 = arith.addf %add3A_463, %mul3A_494 : vector<16xf32>
      %broadcast_in_dim3A_496 = arith.constant 59 : i32
      %broadcast_in_dim3A_497 = vector.broadcast %broadcast_in_dim3A_496 : i32 to vector<16xi32>
      %add3A_498 = arith.addi %add3A_11, %broadcast_in_dim3A_497 : vector<16xi32>
      %gather3A_499 = tpu.vector_load_idx %arg4[%add3A_498] : memref<5248xf32, #tpu.memory_space<vmem>>[vector<16xi32>], vector<16xf32>,
      %add3A_500 = arith.addi %add3A_17, %broadcast_in_dim3A_497 : vector<16xi32>
      %gather3A_501 = tpu.vector_load_idx %arg4[%add3A_500] : memref<5248xf32, #tpu.memory_space<vmem>>[vector<16xi32>], vector<16xf32>,
      %mul3A_502 = arith.mulf %gather3A_499, %gather3A_501 : vector<16xf32>
      %add3A_503 = arith.addf %add3A_471, %mul3A_502 : vector<16xf32>
      %broadcast_in_dim3A_504 = arith.constant 60 : i32
      %broadcast_in_dim3A_505 = vector.broadcast %broadcast_in_dim3A_504 : i32 to vector<16xi32>
      %add3A_506 = arith.addi %add3A_11, %broadcast_in_dim3A_505 : vector<16xi32>
      %gather3A_507 = tpu.vector_load_idx %arg4[%add3A_506] : memref<5248xf32, #tpu.memory_space<vmem>>[vector<16xi32>], vector<16xf32>,
      %add3A_508 = arith.addi %add3A_17, %broadcast_in_dim3A_505 : vector<16xi32>
      %gather3A_509 = tpu.vector_load_idx %arg4[%add3A_508] : memref<5248xf32, #tpu.memory_space<vmem>>[vector<16xi32>], vector<16xf32>,
      %mul3A_510 = arith.mulf %gather3A_507, %gather3A_509 : vector<16xf32>
      %add3A_511 = arith.addf %add3A_479, %mul3A_510 : vector<16xf32>
      %broadcast_in_dim3A_512 = arith.constant 61 : i32
      %broadcast_in_dim3A_513 = vector.broadcast %broadcast_in_dim3A_512 : i32 to vector<16xi32>
      %add3A_514 = arith.addi %add3A_11, %broadcast_in_dim3A_513 : vector<16xi32>
      %gather3A_515 = tpu.vector_load_idx %arg4[%add3A_514] : memref<5248xf32, #tpu.memory_space<vmem>>[vector<16xi32>], vector<16xf32>,
      %add3A_516 = arith.addi %add3A_17, %broadcast_in_dim3A_513 : vector<16xi32>
      %gather3A_517 = tpu.vector_load_idx %arg4[%add3A_516] : memref<5248xf32, #tpu.memory_space<vmem>>[vector<16xi32>], vector<16xf32>,
      %mul3A_518 = arith.mulf %gather3A_515, %gather3A_517 : vector<16xf32>
      %add3A_519 = arith.addf %add3A_487, %mul3A_518 : vector<16xf32>
      %broadcast_in_dim3A_520 = arith.constant 62 : i32
      %broadcast_in_dim3A_521 = vector.broadcast %broadcast_in_dim3A_520 : i32 to vector<16xi32>
      %add3A_522 = arith.addi %add3A_11, %broadcast_in_dim3A_521 : vector<16xi32>
      %gather3A_523 = tpu.vector_load_idx %arg4[%add3A_522] : memref<5248xf32, #tpu.memory_space<vmem>>[vector<16xi32>], vector<16xf32>,
      %add3A_524 = arith.addi %add3A_17, %broadcast_in_dim3A_521 : vector<16xi32>
      %gather3A_525 = tpu.vector_load_idx %arg4[%add3A_524] : memref<5248xf32, #tpu.memory_space<vmem>>[vector<16xi32>], vector<16xf32>,
      %mul3A_526 = arith.mulf %gather3A_523, %gather3A_525 : vector<16xf32>
      %add3A_527 = arith.addf %add3A_495, %mul3A_526 : vector<16xf32>
      %broadcast_in_dim3A_528 = arith.constant 63 : i32
      %broadcast_in_dim3A_529 = vector.broadcast %broadcast_in_dim3A_528 : i32 to vector<16xi32>
      %add3A_530 = arith.addi %add3A_11, %broadcast_in_dim3A_529 : vector<16xi32>
      %gather3A_531 = tpu.vector_load_idx %arg4[%add3A_530] : memref<5248xf32, #tpu.memory_space<vmem>>[vector<16xi32>], vector<16xf32>,
      %add3A_532 = arith.addi %add3A_17, %broadcast_in_dim3A_529 : vector<16xi32>
      %gather3A_533 = tpu.vector_load_idx %arg4[%add3A_532] : memref<5248xf32, #tpu.memory_space<vmem>>[vector<16xi32>], vector<16xf32>,
      %mul3A_534 = arith.mulf %gather3A_531, %gather3A_533 : vector<16xf32>
      %add3A_535 = arith.addf %add3A_503, %mul3A_534 : vector<16xf32>
      %add3A_536 = arith.addf %add3A_511, %add3A_519 : vector<16xf32>
      %add3A_537 = arith.addf %add3A_527, %add3A_535 : vector<16xf32>
      %add3A_538 = arith.addf %add3A_536, %add3A_537 : vector<16xf32>
      %add3A_539 = arith.constant 4160 : i32
      %add3A_540 = vector.broadcast %add3A_539 : i32 to vector<16xi32>
      %add3A_541 = arith.addi %add3A_540, %bitcast3A : vector<16xi32>
      %gather3A_542 = tpu.vector_load_idx %arg4[%add3A_541] : memref<5248xf32, #tpu.memory_space<vmem>>[vector<16xi32>], vector<16xf32>,
      %add3A_543 = arith.constant 4160 : i32
      %add3A_544 = vector.broadcast %add3A_543 : i32 to vector<16xi32>
      %add3A_545 = arith.addi %add3A_544, %bitcast3A_6 : vector<16xi32>
      %gather3A_546 = tpu.vector_load_idx %arg4[%add3A_545] : memref<5248xf32, #tpu.memory_space<vmem>>[vector<16xi32>], vector<16xf32>,
      %shift_left3A_547 = arith.constant 5 : i32
      %shift_left3A_548 = vector.broadcast %shift_left3A_547 : i32 to vector<16xi32>
      %shift_left3A_549 = arith.shli %bitcast3A, %shift_left3A_548 : vector<16xi32>
      %add3A_550 = arith.constant 4192 : i32
      %add3A_551 = vector.broadcast %add3A_550 : i32 to vector<16xi32>
      %add3A_552 = arith.addi %add3A_551, %shift_left3A_549 : vector<16xi32>
      %add3A_553 = arith.addi %add3A_552, %bitcast3A_6 : vector<16xi32>
      %gather3A_554 = tpu.vector_load_idx %arg4[%add3A_553] : memref<5248xf32, #tpu.memory_space<vmem>>[vector<16xi32>], vector<16xf32>,
      %bitcast3A_555 = vector.bitcast %gather3A_554 : vector<16xf32> to vector<16xi32>
      %shift_right_arithmetic3A = arith.constant 23 : i32
      %shift_right_arithmetic3A_556 = vector.broadcast %shift_right_arithmetic3A : i32 to vector<16xi32>
      %shift_right_arithmetic3A_557 = arith.shrsi %bitcast3A_555, %shift_right_arithmetic3A_556 : vector<16xi32>
      %and3A = arith.constant 255 : i32
      %and3A_558 = vector.broadcast %and3A : i32 to vector<16xi32>
      %and3A_559 = arith.andi %shift_right_arithmetic3A_557, %and3A_558 : vector<16xi32>
      %sub3A = arith.constant 127 : i32
      %sub3A_560 = vector.broadcast %sub3A : i32 to vector<16xi32>
      %sub3A_561 = arith.subi %and3A_559, %sub3A_560 : vector<16xi32>
      %and3A_562 = arith.constant 8388607 : i32
      %and3A_563 = vector.broadcast %and3A_562 : i32 to vector<16xi32>
      %and3A_564 = arith.andi %bitcast3A_555, %and3A_563 : vector<16xi32>
      %or3A = arith.constant 1065353216 : i32
      %or3A_565 = vector.broadcast %or3A : i32 to vector<16xi32>
      %or3A_566 = arith.ori %and3A_564, %or3A_565 : vector<16xi32>
      %bitcast3A_567 = vector.bitcast %or3A_566 : vector<16xi32> to vector<16xf32>
      %sub3A_568 = arith.constant 1.000000e+00 : f32
      %sub3A_569 = vector.broadcast %sub3A_568 : f32 to vector<16xf32>
      %sub3A_570 = arith.subf %bitcast3A_567, %sub3A_569 : vector<16xf32>
      %add3A_571 = arith.constant 1.000000e+00 : f32
      %add3A_572 = vector.broadcast %add3A_571 : f32 to vector<16xf32>
      %add3A_573 = arith.addf %bitcast3A_567, %add3A_572 : vector<16xf32>
      %div3A = arith.divf %sub3A_570, %add3A_573 : vector<16xf32>
      %mul3A_574 = arith.mulf %div3A, %div3A : vector<16xf32>
      %mul3A_575 = arith.constant 0.111111112 : f32
      %mul3A_576 = vector.broadcast %mul3A_575 : f32 to vector<16xf32>
      %mul3A_577 = arith.mulf %mul3A_574, %mul3A_576 : vector<16xf32>
      %add3A_578 = arith.constant 0.142857149 : f32
      %add3A_579 = vector.broadcast %add3A_578 : f32 to vector<16xf32>
      %add3A_580 = arith.addf %add3A_579, %mul3A_577 : vector<16xf32>
      %mul3A_581 = arith.mulf %mul3A_574, %add3A_580 : vector<16xf32>
      %add3A_582 = arith.constant 2.000000e-01 : f32
      %add3A_583 = vector.broadcast %add3A_582 : f32 to vector<16xf32>
      %add3A_584 = arith.addf %add3A_583, %mul3A_581 : vector<16xf32>
      %mul3A_585 = arith.mulf %mul3A_574, %add3A_584 : vector<16xf32>
      %add3A_586 = arith.constant 0.333333343 : f32
      %add3A_587 = vector.broadcast %add3A_586 : f32 to vector<16xf32>
      %add3A_588 = arith.addf %add3A_587, %mul3A_585 : vector<16xf32>
      %mul3A_589 = arith.mulf %mul3A_574, %add3A_588 : vector<16xf32>
      %add3A_590 = arith.constant 1.000000e+00 : f32
      %add3A_591 = vector.broadcast %add3A_590 : f32 to vector<16xf32>
      %add3A_592 = arith.addf %add3A_591, %mul3A_589 : vector<16xf32>
      %convert_element_type3A_593 = arith.sitofp %sub3A_561 : vector<16xi32> to vector<16xf32>
      %mul3A_594 = arith.constant 0.693147182 : f32
      %mul3A_595 = vector.broadcast %mul3A_594 : f32 to vector<16xf32>
      %mul3A_596 = arith.mulf %convert_element_type3A_593, %mul3A_595 : vector<16xf32>
      %mul3A_597 = arith.constant 2.000000e+00 : f32
      %mul3A_598 = vector.broadcast %mul3A_597 : f32 to vector<16xf32>
      %mul3A_599 = arith.mulf %mul3A_598, %div3A : vector<16xf32>
      %mul3A_600 = arith.mulf %mul3A_599, %add3A_592 : vector<16xf32>
      %add3A_601 = arith.addf %mul3A_596, %mul3A_600 : vector<16xf32>
      %lt3A = arith.constant 1.000000e+02 : f32
      %lt3A_602 = vector.broadcast %lt3A : f32 to vector<16xf32>
      %lt3A_603 = arith.cmpf olt, %gather3A_554, %lt3A_602 : vector<16xf32>
      %sub3A_604 = arith.constant 4.60517025 : f32
      %sub3A_605 = vector.broadcast %sub3A_604 : f32 to vector<16xf32>
      %sub3A_606 = arith.subf %add3A_601, %sub3A_605 : vector<16xf32>
      %mul3A_607 = arith.constant 7.500000e-01 : f32
      %mul3A_608 = vector.broadcast %mul3A_607 : f32 to vector<16xf32>
      %mul3A_609 = arith.mulf %mul3A_608, %sub3A_606 : vector<16xf32>
      %exp3A = math.exp %mul3A_609 : vector<16xf32>
      %jit3A = arith.constant 1.000000e+00 : f32
      %broadcast_in_dim3A_610 = vector.broadcast %jit3A : f32 to vector<16xf32>
      %select_n3A = arith.select %lt3A_603, %exp3A, %broadcast_in_dim3A_610 : vector<16xi1>, vector<16xf32>
      %add3A_611 = arith.addf %add3A_538, %gather3A_542 : vector<16xf32>
      %add3A_612 = arith.addf %add3A_611, %gather3A_546 : vector<16xf32>
      %sub3A_613 = arith.subf %add3A_612, %add3A_601 : vector<16xf32>
      %mul3A_614 = arith.mulf %sub3A_613, %sub3A_613 : vector<16xf32>
      %mul3A_615 = arith.mulf %mul3A_614, %select_n3A : vector<16xf32>
      %add3A_616 = arith.addf %broadcast_in_dim3A_2, %mul3A_615 : vector<16xf32>
      %get3A_617 = arith.constant 16 : index
      %get3A_618 = tpu.vector_load %arg4[%get3A_617] {strides = array<i32>} : memref<5248xf32, #tpu.memory_space<vmem>>, vector<16xf32>,
      %bitcast3A_619 = vector.bitcast %get3A_618 : vector<16xf32> to vector<16xi32>
      %get3A_620 = arith.constant 48 : index
      %get3A_621 = tpu.vector_load %arg4[%get3A_620] {strides = array<i32>} : memref<5248xf32, #tpu.memory_space<vmem>>, vector<16xf32>,
      %bitcast3A_622 = vector.bitcast %get3A_621 : vector<16xf32> to vector<16xi32>
      %shift_left3A_623 = arith.constant 6 : i32
      %shift_left3A_624 = vector.broadcast %shift_left3A_623 : i32 to vector<16xi32>
      %shift_left3A_625 = arith.shli %bitcast3A_619, %shift_left3A_624 : vector<16xi32>
      %add3A_626 = arith.constant 64 : i32
      %add3A_627 = vector.broadcast %add3A_626 : i32 to vector<16xi32>
      %add3A_628 = arith.addi %add3A_627, %shift_left3A_625 : vector<16xi32>
      %shift_left3A_629 = arith.constant 6 : i32
      %shift_left3A_630 = vector.broadcast %shift_left3A_629 : i32 to vector<16xi32>
      %shift_left3A_631 = arith.shli %bitcast3A_622, %shift_left3A_630 : vector<16xi32>
      %add3A_632 = arith.constant 64 : i32
      %add3A_633 = vector.broadcast %add3A_632 : i32 to vector<16xi32>
      %add3A_634 = arith.addi %add3A_633, %shift_left3A_631 : vector<16xi32>
      %broadcast_in_dim3A_635 = arith.constant 0.000000e+00 : f32
      %broadcast_in_dim3A_636 = vector.broadcast %broadcast_in_dim3A_635 : f32 to vector<16xf32>
      %broadcast_in_dim3A_637 = arith.constant 0.000000e+00 : f32
      %broadcast_in_dim3A_638 = vector.broadcast %broadcast_in_dim3A_637 : f32 to vector<16xf32>
      %broadcast_in_dim3A_639 = arith.constant 0.000000e+00 : f32
      %broadcast_in_dim3A_640 = vector.broadcast %broadcast_in_dim3A_639 : f32 to vector<16xf32>
      %broadcast_in_dim3A_641 = arith.constant 0.000000e+00 : f32
      %broadcast_in_dim3A_642 = vector.broadcast %broadcast_in_dim3A_641 : f32 to vector<16xf32>
      %broadcast_in_dim3A_643 = arith.constant 0 : i32
      %broadcast_in_dim3A_644 = vector.broadcast %broadcast_in_dim3A_643 : i32 to vector<16xi32>
      %add3A_645 = arith.addi %add3A_628, %broadcast_in_dim3A_644 : vector<16xi32>
      %gather3A_646 = tpu.vector_load_idx %arg4[%add3A_645] : memref<5248xf32, #tpu.memory_space<vmem>>[vector<16xi32>], vector<16xf32>,
      %add3A_647 = arith.addi %add3A_634, %broadcast_in_dim3A_644 : vector<16xi32>
      %gather3A_648 = tpu.vector_load_idx %arg4[%add3A_647] : memref<5248xf32, #tpu.memory_space<vmem>>[vector<16xi32>], vector<16xf32>,
      %mul3A_649 = arith.mulf %gather3A_646, %gather3A_648 : vector<16xf32>
      %add3A_650 = arith.addf %broadcast_in_dim3A_636, %mul3A_649 : vector<16xf32>
      %broadcast_in_dim3A_651 = arith.constant 1 : i32
      %broadcast_in_dim3A_652 = vector.broadcast %broadcast_in_dim3A_651 : i32 to vector<16xi32>
      %add3A_653 = arith.addi %add3A_628, %broadcast_in_dim3A_652 : vector<16xi32>
      %gather3A_654 = tpu.vector_load_idx %arg4[%add3A_653] : memref<5248xf32, #tpu.memory_space<vmem>>[vector<16xi32>], vector<16xf32>,
      %add3A_655 = arith.addi %add3A_634, %broadcast_in_dim3A_652 : vector<16xi32>
      %gather3A_656 = tpu.vector_load_idx %arg4[%add3A_655] : memref<5248xf32, #tpu.memory_space<vmem>>[vector<16xi32>], vector<16xf32>,
      %mul3A_657 = arith.mulf %gather3A_654, %gather3A_656 : vector<16xf32>
      %add3A_658 = arith.addf %broadcast_in_dim3A_638, %mul3A_657 : vector<16xf32>
      %broadcast_in_dim3A_659 = arith.constant 2 : i32
      %broadcast_in_dim3A_660 = vector.broadcast %broadcast_in_dim3A_659 : i32 to vector<16xi32>
      %add3A_661 = arith.addi %add3A_628, %broadcast_in_dim3A_660 : vector<16xi32>
      %gather3A_662 = tpu.vector_load_idx %arg4[%add3A_661] : memref<5248xf32, #tpu.memory_space<vmem>>[vector<16xi32>], vector<16xf32>,
      %add3A_663 = arith.addi %add3A_634, %broadcast_in_dim3A_660 : vector<16xi32>
      %gather3A_664 = tpu.vector_load_idx %arg4[%add3A_663] : memref<5248xf32, #tpu.memory_space<vmem>>[vector<16xi32>], vector<16xf32>,
      %mul3A_665 = arith.mulf %gather3A_662, %gather3A_664 : vector<16xf32>
      %add3A_666 = arith.addf %broadcast_in_dim3A_640, %mul3A_665 : vector<16xf32>
      %broadcast_in_dim3A_667 = arith.constant 3 : i32
      %broadcast_in_dim3A_668 = vector.broadcast %broadcast_in_dim3A_667 : i32 to vector<16xi32>
      %add3A_669 = arith.addi %add3A_628, %broadcast_in_dim3A_668 : vector<16xi32>
      %gather3A_670 = tpu.vector_load_idx %arg4[%add3A_669] : memref<5248xf32, #tpu.memory_space<vmem>>[vector<16xi32>], vector<16xf32>,
      %add3A_671 = arith.addi %add3A_634, %broadcast_in_dim3A_668 : vector<16xi32>
      %gather3A_672 = tpu.vector_load_idx %arg4[%add3A_671] : memref<5248xf32, #tpu.memory_space<vmem>>[vector<16xi32>], vector<16xf32>,
      %mul3A_673 = arith.mulf %gather3A_670, %gather3A_672 : vector<16xf32>
      %add3A_674 = arith.addf %broadcast_in_dim3A_642, %mul3A_673 : vector<16xf32>
      %broadcast_in_dim3A_675 = arith.constant 4 : i32
      %broadcast_in_dim3A_676 = vector.broadcast %broadcast_in_dim3A_675 : i32 to vector<16xi32>
      %add3A_677 = arith.addi %add3A_628, %broadcast_in_dim3A_676 : vector<16xi32>
      %gather3A_678 = tpu.vector_load_idx %arg4[%add3A_677] : memref<5248xf32, #tpu.memory_space<vmem>>[vector<16xi32>], vector<16xf32>,
      %add3A_679 = arith.addi %add3A_634, %broadcast_in_dim3A_676 : vector<16xi32>
      %gather3A_680 = tpu.vector_load_idx %arg4[%add3A_679] : memref<5248xf32, #tpu.memory_space<vmem>>[vector<16xi32>], vector<16xf32>,
      %mul3A_681 = arith.mulf %gather3A_678, %gather3A_680 : vector<16xf32>
      %add3A_682 = arith.addf %add3A_650, %mul3A_681 : vector<16xf32>
      %broadcast_in_dim3A_683 = arith.constant 5 : i32
      %broadcast_in_dim3A_684 = vector.broadcast %broadcast_in_dim3A_683 : i32 to vector<16xi32>
      %add3A_685 = arith.addi %add3A_628, %broadcast_in_dim3A_684 : vector<16xi32>
      %gather3A_686 = tpu.vector_load_idx %arg4[%add3A_685] : memref<5248xf32, #tpu.memory_space<vmem>>[vector<16xi32>], vector<16xf32>,
      %add3A_687 = arith.addi %add3A_634, %broadcast_in_dim3A_684 : vector<16xi32>
      %gather3A_688 = tpu.vector_load_idx %arg4[%add3A_687] : memref<5248xf32, #tpu.memory_space<vmem>>[vector<16xi32>], vector<16xf32>,
      %mul3A_689 = arith.mulf %gather3A_686, %gather3A_688 : vector<16xf32>
      %add3A_690 = arith.addf %add3A_658, %mul3A_689 : vector<16xf32>
      %broadcast_in_dim3A_691 = arith.constant 6 : i32
      %broadcast_in_dim3A_692 = vector.broadcast %broadcast_in_dim3A_691 : i32 to vector<16xi32>
      %add3A_693 = arith.addi %add3A_628, %broadcast_in_dim3A_692 : vector<16xi32>
      %gather3A_694 = tpu.vector_load_idx %arg4[%add3A_693] : memref<5248xf32, #tpu.memory_space<vmem>>[vector<16xi32>], vector<16xf32>,
      %add3A_695 = arith.addi %add3A_634, %broadcast_in_dim3A_692 : vector<16xi32>
      %gather3A_696 = tpu.vector_load_idx %arg4[%add3A_695] : memref<5248xf32, #tpu.memory_space<vmem>>[vector<16xi32>], vector<16xf32>,
      %mul3A_697 = arith.mulf %gather3A_694, %gather3A_696 : vector<16xf32>
      %add3A_698 = arith.addf %add3A_666, %mul3A_697 : vector<16xf32>
      %broadcast_in_dim3A_699 = arith.constant 7 : i32
      %broadcast_in_dim3A_700 = vector.broadcast %broadcast_in_dim3A_699 : i32 to vector<16xi32>
      %add3A_701 = arith.addi %add3A_628, %broadcast_in_dim3A_700 : vector<16xi32>
      %gather3A_702 = tpu.vector_load_idx %arg4[%add3A_701] : memref<5248xf32, #tpu.memory_space<vmem>>[vector<16xi32>], vector<16xf32>,
      %add3A_703 = arith.addi %add3A_634, %broadcast_in_dim3A_700 : vector<16xi32>
      %gather3A_704 = tpu.vector_load_idx %arg4[%add3A_703] : memref<5248xf32, #tpu.memory_space<vmem>>[vector<16xi32>], vector<16xf32>,
      %mul3A_705 = arith.mulf %gather3A_702, %gather3A_704 : vector<16xf32>
      %add3A_706 = arith.addf %add3A_674, %mul3A_705 : vector<16xf32>
      %broadcast_in_dim3A_707 = arith.constant 8 : i32
      %broadcast_in_dim3A_708 = vector.broadcast %broadcast_in_dim3A_707 : i32 to vector<16xi32>
      %add3A_709 = arith.addi %add3A_628, %broadcast_in_dim3A_708 : vector<16xi32>
      %gather3A_710 = tpu.vector_load_idx %arg4[%add3A_709] : memref<5248xf32, #tpu.memory_space<vmem>>[vector<16xi32>], vector<16xf32>,
      %add3A_711 = arith.addi %add3A_634, %broadcast_in_dim3A_708 : vector<16xi32>
      %gather3A_712 = tpu.vector_load_idx %arg4[%add3A_711] : memref<5248xf32, #tpu.memory_space<vmem>>[vector<16xi32>], vector<16xf32>,
      %mul3A_713 = arith.mulf %gather3A_710, %gather3A_712 : vector<16xf32>
      %add3A_714 = arith.addf %add3A_682, %mul3A_713 : vector<16xf32>
      %broadcast_in_dim3A_715 = arith.constant 9 : i32
      %broadcast_in_dim3A_716 = vector.broadcast %broadcast_in_dim3A_715 : i32 to vector<16xi32>
      %add3A_717 = arith.addi %add3A_628, %broadcast_in_dim3A_716 : vector<16xi32>
      %gather3A_718 = tpu.vector_load_idx %arg4[%add3A_717] : memref<5248xf32, #tpu.memory_space<vmem>>[vector<16xi32>], vector<16xf32>,
      %add3A_719 = arith.addi %add3A_634, %broadcast_in_dim3A_716 : vector<16xi32>
      %gather3A_720 = tpu.vector_load_idx %arg4[%add3A_719] : memref<5248xf32, #tpu.memory_space<vmem>>[vector<16xi32>], vector<16xf32>,
      %mul3A_721 = arith.mulf %gather3A_718, %gather3A_720 : vector<16xf32>
      %add3A_722 = arith.addf %add3A_690, %mul3A_721 : vector<16xf32>
      %broadcast_in_dim3A_723 = arith.constant 10 : i32
      %broadcast_in_dim3A_724 = vector.broadcast %broadcast_in_dim3A_723 : i32 to vector<16xi32>
      %add3A_725 = arith.addi %add3A_628, %broadcast_in_dim3A_724 : vector<16xi32>
      %gather3A_726 = tpu.vector_load_idx %arg4[%add3A_725] : memref<5248xf32, #tpu.memory_space<vmem>>[vector<16xi32>], vector<16xf32>,
      %add3A_727 = arith.addi %add3A_634, %broadcast_in_dim3A_724 : vector<16xi32>
      %gather3A_728 = tpu.vector_load_idx %arg4[%add3A_727] : memref<5248xf32, #tpu.memory_space<vmem>>[vector<16xi32>], vector<16xf32>,
      %mul3A_729 = arith.mulf %gather3A_726, %gather3A_728 : vector<16xf32>
      %add3A_730 = arith.addf %add3A_698, %mul3A_729 : vector<16xf32>
      %broadcast_in_dim3A_731 = arith.constant 11 : i32
      %broadcast_in_dim3A_732 = vector.broadcast %broadcast_in_dim3A_731 : i32 to vector<16xi32>
      %add3A_733 = arith.addi %add3A_628, %broadcast_in_dim3A_732 : vector<16xi32>
      %gather3A_734 = tpu.vector_load_idx %arg4[%add3A_733] : memref<5248xf32, #tpu.memory_space<vmem>>[vector<16xi32>], vector<16xf32>,
      %add3A_735 = arith.addi %add3A_634, %broadcast_in_dim3A_732 : vector<16xi32>
      %gather3A_736 = tpu.vector_load_idx %arg4[%add3A_735] : memref<5248xf32, #tpu.memory_space<vmem>>[vector<16xi32>], vector<16xf32>,
      %mul3A_737 = arith.mulf %gather3A_734, %gather3A_736 : vector<16xf32>
      %add3A_738 = arith.addf %add3A_706, %mul3A_737 : vector<16xf32>
      %broadcast_in_dim3A_739 = arith.constant 12 : i32
      %broadcast_in_dim3A_740 = vector.broadcast %broadcast_in_dim3A_739 : i32 to vector<16xi32>
      %add3A_741 = arith.addi %add3A_628, %broadcast_in_dim3A_740 : vector<16xi32>
      %gather3A_742 = tpu.vector_load_idx %arg4[%add3A_741] : memref<5248xf32, #tpu.memory_space<vmem>>[vector<16xi32>], vector<16xf32>,
      %add3A_743 = arith.addi %add3A_634, %broadcast_in_dim3A_740 : vector<16xi32>
      %gather3A_744 = tpu.vector_load_idx %arg4[%add3A_743] : memref<5248xf32, #tpu.memory_space<vmem>>[vector<16xi32>], vector<16xf32>,
      %mul3A_745 = arith.mulf %gather3A_742, %gather3A_744 : vector<16xf32>
      %add3A_746 = arith.addf %add3A_714, %mul3A_745 : vector<16xf32>
      %broadcast_in_dim3A_747 = arith.constant 13 : i32
      %broadcast_in_dim3A_748 = vector.broadcast %broadcast_in_dim3A_747 : i32 to vector<16xi32>
      %add3A_749 = arith.addi %add3A_628, %broadcast_in_dim3A_748 : vector<16xi32>
      %gather3A_750 = tpu.vector_load_idx %arg4[%add3A_749] : memref<5248xf32, #tpu.memory_space<vmem>>[vector<16xi32>], vector<16xf32>,
      %add3A_751 = arith.addi %add3A_634, %broadcast_in_dim3A_748 : vector<16xi32>
      %gather3A_752 = tpu.vector_load_idx %arg4[%add3A_751] : memref<5248xf32, #tpu.memory_space<vmem>>[vector<16xi32>], vector<16xf32>,
      %mul3A_753 = arith.mulf %gather3A_750, %gather3A_752 : vector<16xf32>
      %add3A_754 = arith.addf %add3A_722, %mul3A_753 : vector<16xf32>
      %broadcast_in_dim3A_755 = arith.constant 14 : i32
      %broadcast_in_dim3A_756 = vector.broadcast %broadcast_in_dim3A_755 : i32 to vector<16xi32>
      %add3A_757 = arith.addi %add3A_628, %broadcast_in_dim3A_756 : vector<16xi32>
      %gather3A_758 = tpu.vector_load_idx %arg4[%add3A_757] : memref<5248xf32, #tpu.memory_space<vmem>>[vector<16xi32>], vector<16xf32>,
      %add3A_759 = arith.addi %add3A_634, %broadcast_in_dim3A_756 : vector<16xi32>
      %gather3A_760 = tpu.vector_load_idx %arg4[%add3A_759] : memref<5248xf32, #tpu.memory_space<vmem>>[vector<16xi32>], vector<16xf32>,
      %mul3A_761 = arith.mulf %gather3A_758, %gather3A_760 : vector<16xf32>
      %add3A_762 = arith.addf %add3A_730, %mul3A_761 : vector<16xf32>
      %broadcast_in_dim3A_763 = arith.constant 15 : i32
      %broadcast_in_dim3A_764 = vector.broadcast %broadcast_in_dim3A_763 : i32 to vector<16xi32>
      %add3A_765 = arith.addi %add3A_628, %broadcast_in_dim3A_764 : vector<16xi32>
      %gather3A_766 = tpu.vector_load_idx %arg4[%add3A_765] : memref<5248xf32, #tpu.memory_space<vmem>>[vector<16xi32>], vector<16xf32>,
      %add3A_767 = arith.addi %add3A_634, %broadcast_in_dim3A_764 : vector<16xi32>
      %gather3A_768 = tpu.vector_load_idx %arg4[%add3A_767] : memref<5248xf32, #tpu.memory_space<vmem>>[vector<16xi32>], vector<16xf32>,
      %mul3A_769 = arith.mulf %gather3A_766, %gather3A_768 : vector<16xf32>
      %add3A_770 = arith.addf %add3A_738, %mul3A_769 : vector<16xf32>
      %broadcast_in_dim3A_771 = arith.constant 16 : i32
      %broadcast_in_dim3A_772 = vector.broadcast %broadcast_in_dim3A_771 : i32 to vector<16xi32>
      %add3A_773 = arith.addi %add3A_628, %broadcast_in_dim3A_772 : vector<16xi32>
      %gather3A_774 = tpu.vector_load_idx %arg4[%add3A_773] : memref<5248xf32, #tpu.memory_space<vmem>>[vector<16xi32>], vector<16xf32>,
      %add3A_775 = arith.addi %add3A_634, %broadcast_in_dim3A_772 : vector<16xi32>
      %gather3A_776 = tpu.vector_load_idx %arg4[%add3A_775] : memref<5248xf32, #tpu.memory_space<vmem>>[vector<16xi32>], vector<16xf32>,
      %mul3A_777 = arith.mulf %gather3A_774, %gather3A_776 : vector<16xf32>
      %add3A_778 = arith.addf %add3A_746, %mul3A_777 : vector<16xf32>
      %broadcast_in_dim3A_779 = arith.constant 17 : i32
      %broadcast_in_dim3A_780 = vector.broadcast %broadcast_in_dim3A_779 : i32 to vector<16xi32>
      %add3A_781 = arith.addi %add3A_628, %broadcast_in_dim3A_780 : vector<16xi32>
      %gather3A_782 = tpu.vector_load_idx %arg4[%add3A_781] : memref<5248xf32, #tpu.memory_space<vmem>>[vector<16xi32>], vector<16xf32>,
      %add3A_783 = arith.addi %add3A_634, %broadcast_in_dim3A_780 : vector<16xi32>
      %gather3A_784 = tpu.vector_load_idx %arg4[%add3A_783] : memref<5248xf32, #tpu.memory_space<vmem>>[vector<16xi32>], vector<16xf32>,
      %mul3A_785 = arith.mulf %gather3A_782, %gather3A_784 : vector<16xf32>
      %add3A_786 = arith.addf %add3A_754, %mul3A_785 : vector<16xf32>
      %broadcast_in_dim3A_787 = arith.constant 18 : i32
      %broadcast_in_dim3A_788 = vector.broadcast %broadcast_in_dim3A_787 : i32 to vector<16xi32>
      %add3A_789 = arith.addi %add3A_628, %broadcast_in_dim3A_788 : vector<16xi32>
      %gather3A_790 = tpu.vector_load_idx %arg4[%add3A_789] : memref<5248xf32, #tpu.memory_space<vmem>>[vector<16xi32>], vector<16xf32>,
      %add3A_791 = arith.addi %add3A_634, %broadcast_in_dim3A_788 : vector<16xi32>
      %gather3A_792 = tpu.vector_load_idx %arg4[%add3A_791] : memref<5248xf32, #tpu.memory_space<vmem>>[vector<16xi32>], vector<16xf32>,
      %mul3A_793 = arith.mulf %gather3A_790, %gather3A_792 : vector<16xf32>
      %add3A_794 = arith.addf %add3A_762, %mul3A_793 : vector<16xf32>
      %broadcast_in_dim3A_795 = arith.constant 19 : i32
      %broadcast_in_dim3A_796 = vector.broadcast %broadcast_in_dim3A_795 : i32 to vector<16xi32>
      %add3A_797 = arith.addi %add3A_628, %broadcast_in_dim3A_796 : vector<16xi32>
      %gather3A_798 = tpu.vector_load_idx %arg4[%add3A_797] : memref<5248xf32, #tpu.memory_space<vmem>>[vector<16xi32>], vector<16xf32>,
      %add3A_799 = arith.addi %add3A_634, %broadcast_in_dim3A_796 : vector<16xi32>
      %gather3A_800 = tpu.vector_load_idx %arg4[%add3A_799] : memref<5248xf32, #tpu.memory_space<vmem>>[vector<16xi32>], vector<16xf32>,
      %mul3A_801 = arith.mulf %gather3A_798, %gather3A_800 : vector<16xf32>
      %add3A_802 = arith.addf %add3A_770, %mul3A_801 : vector<16xf32>
      %broadcast_in_dim3A_803 = arith.constant 20 : i32
      %broadcast_in_dim3A_804 = vector.broadcast %broadcast_in_dim3A_803 : i32 to vector<16xi32>
      %add3A_805 = arith.addi %add3A_628, %broadcast_in_dim3A_804 : vector<16xi32>
      %gather3A_806 = tpu.vector_load_idx %arg4[%add3A_805] : memref<5248xf32, #tpu.memory_space<vmem>>[vector<16xi32>], vector<16xf32>,
      %add3A_807 = arith.addi %add3A_634, %broadcast_in_dim3A_804 : vector<16xi32>
      %gather3A_808 = tpu.vector_load_idx %arg4[%add3A_807] : memref<5248xf32, #tpu.memory_space<vmem>>[vector<16xi32>], vector<16xf32>,
      %mul3A_809 = arith.mulf %gather3A_806, %gather3A_808 : vector<16xf32>
      %add3A_810 = arith.addf %add3A_778, %mul3A_809 : vector<16xf32>
      %broadcast_in_dim3A_811 = arith.constant 21 : i32
      %broadcast_in_dim3A_812 = vector.broadcast %broadcast_in_dim3A_811 : i32 to vector<16xi32>
      %add3A_813 = arith.addi %add3A_628, %broadcast_in_dim3A_812 : vector<16xi32>
      %gather3A_814 = tpu.vector_load_idx %arg4[%add3A_813] : memref<5248xf32, #tpu.memory_space<vmem>>[vector<16xi32>], vector<16xf32>,
      %add3A_815 = arith.addi %add3A_634, %broadcast_in_dim3A_812 : vector<16xi32>
      %gather3A_816 = tpu.vector_load_idx %arg4[%add3A_815] : memref<5248xf32, #tpu.memory_space<vmem>>[vector<16xi32>], vector<16xf32>,
      %mul3A_817 = arith.mulf %gather3A_814, %gather3A_816 : vector<16xf32>
      %add3A_818 = arith.addf %add3A_786, %mul3A_817 : vector<16xf32>
      %broadcast_in_dim3A_819 = arith.constant 22 : i32
      %broadcast_in_dim3A_820 = vector.broadcast %broadcast_in_dim3A_819 : i32 to vector<16xi32>
      %add3A_821 = arith.addi %add3A_628, %broadcast_in_dim3A_820 : vector<16xi32>
      %gather3A_822 = tpu.vector_load_idx %arg4[%add3A_821] : memref<5248xf32, #tpu.memory_space<vmem>>[vector<16xi32>], vector<16xf32>,
      %add3A_823 = arith.addi %add3A_634, %broadcast_in_dim3A_820 : vector<16xi32>
      %gather3A_824 = tpu.vector_load_idx %arg4[%add3A_823] : memref<5248xf32, #tpu.memory_space<vmem>>[vector<16xi32>], vector<16xf32>,
      %mul3A_825 = arith.mulf %gather3A_822, %gather3A_824 : vector<16xf32>
      %add3A_826 = arith.addf %add3A_794, %mul3A_825 : vector<16xf32>
      %broadcast_in_dim3A_827 = arith.constant 23 : i32
      %broadcast_in_dim3A_828 = vector.broadcast %broadcast_in_dim3A_827 : i32 to vector<16xi32>
      %add3A_829 = arith.addi %add3A_628, %broadcast_in_dim3A_828 : vector<16xi32>
      %gather3A_830 = tpu.vector_load_idx %arg4[%add3A_829] : memref<5248xf32, #tpu.memory_space<vmem>>[vector<16xi32>], vector<16xf32>,
      %add3A_831 = arith.addi %add3A_634, %broadcast_in_dim3A_828 : vector<16xi32>
      %gather3A_832 = tpu.vector_load_idx %arg4[%add3A_831] : memref<5248xf32, #tpu.memory_space<vmem>>[vector<16xi32>], vector<16xf32>,
      %mul3A_833 = arith.mulf %gather3A_830, %gather3A_832 : vector<16xf32>
      %add3A_834 = arith.addf %add3A_802, %mul3A_833 : vector<16xf32>
      %broadcast_in_dim3A_835 = arith.constant 24 : i32
      %broadcast_in_dim3A_836 = vector.broadcast %broadcast_in_dim3A_835 : i32 to vector<16xi32>
      %add3A_837 = arith.addi %add3A_628, %broadcast_in_dim3A_836 : vector<16xi32>
      %gather3A_838 = tpu.vector_load_idx %arg4[%add3A_837] : memref<5248xf32, #tpu.memory_space<vmem>>[vector<16xi32>], vector<16xf32>,
      %add3A_839 = arith.addi %add3A_634, %broadcast_in_dim3A_836 : vector<16xi32>
      %gather3A_840 = tpu.vector_load_idx %arg4[%add3A_839] : memref<5248xf32, #tpu.memory_space<vmem>>[vector<16xi32>], vector<16xf32>,
      %mul3A_841 = arith.mulf %gather3A_838, %gather3A_840 : vector<16xf32>
      %add3A_842 = arith.addf %add3A_810, %mul3A_841 : vector<16xf32>
      %broadcast_in_dim3A_843 = arith.constant 25 : i32
      %broadcast_in_dim3A_844 = vector.broadcast %broadcast_in_dim3A_843 : i32 to vector<16xi32>
      %add3A_845 = arith.addi %add3A_628, %broadcast_in_dim3A_844 : vector<16xi32>
      %gather3A_846 = tpu.vector_load_idx %arg4[%add3A_845] : memref<5248xf32, #tpu.memory_space<vmem>>[vector<16xi32>], vector<16xf32>,
      %add3A_847 = arith.addi %add3A_634, %broadcast_in_dim3A_844 : vector<16xi32>
      %gather3A_848 = tpu.vector_load_idx %arg4[%add3A_847] : memref<5248xf32, #tpu.memory_space<vmem>>[vector<16xi32>], vector<16xf32>,
      %mul3A_849 = arith.mulf %gather3A_846, %gather3A_848 : vector<16xf32>
      %add3A_850 = arith.addf %add3A_818, %mul3A_849 : vector<16xf32>
      %broadcast_in_dim3A_851 = arith.constant 26 : i32
      %broadcast_in_dim3A_852 = vector.broadcast %broadcast_in_dim3A_851 : i32 to vector<16xi32>
      %add3A_853 = arith.addi %add3A_628, %broadcast_in_dim3A_852 : vector<16xi32>
      %gather3A_854 = tpu.vector_load_idx %arg4[%add3A_853] : memref<5248xf32, #tpu.memory_space<vmem>>[vector<16xi32>], vector<16xf32>,
      %add3A_855 = arith.addi %add3A_634, %broadcast_in_dim3A_852 : vector<16xi32>
      %gather3A_856 = tpu.vector_load_idx %arg4[%add3A_855] : memref<5248xf32, #tpu.memory_space<vmem>>[vector<16xi32>], vector<16xf32>,
      %mul3A_857 = arith.mulf %gather3A_854, %gather3A_856 : vector<16xf32>
      %add3A_858 = arith.addf %add3A_826, %mul3A_857 : vector<16xf32>
      %broadcast_in_dim3A_859 = arith.constant 27 : i32
      %broadcast_in_dim3A_860 = vector.broadcast %broadcast_in_dim3A_859 : i32 to vector<16xi32>
      %add3A_861 = arith.addi %add3A_628, %broadcast_in_dim3A_860 : vector<16xi32>
      %gather3A_862 = tpu.vector_load_idx %arg4[%add3A_861] : memref<5248xf32, #tpu.memory_space<vmem>>[vector<16xi32>], vector<16xf32>,
      %add3A_863 = arith.addi %add3A_634, %broadcast_in_dim3A_860 : vector<16xi32>
      %gather3A_864 = tpu.vector_load_idx %arg4[%add3A_863] : memref<5248xf32, #tpu.memory_space<vmem>>[vector<16xi32>], vector<16xf32>,
      %mul3A_865 = arith.mulf %gather3A_862, %gather3A_864 : vector<16xf32>
      %add3A_866 = arith.addf %add3A_834, %mul3A_865 : vector<16xf32>
      %broadcast_in_dim3A_867 = arith.constant 28 : i32
      %broadcast_in_dim3A_868 = vector.broadcast %broadcast_in_dim3A_867 : i32 to vector<16xi32>
      %add3A_869 = arith.addi %add3A_628, %broadcast_in_dim3A_868 : vector<16xi32>
      %gather3A_870 = tpu.vector_load_idx %arg4[%add3A_869] : memref<5248xf32, #tpu.memory_space<vmem>>[vector<16xi32>], vector<16xf32>,
      %add3A_871 = arith.addi %add3A_634, %broadcast_in_dim3A_868 : vector<16xi32>
      %gather3A_872 = tpu.vector_load_idx %arg4[%add3A_871] : memref<5248xf32, #tpu.memory_space<vmem>>[vector<16xi32>], vector<16xf32>,
      %mul3A_873 = arith.mulf %gather3A_870, %gather3A_872 : vector<16xf32>
      %add3A_874 = arith.addf %add3A_842, %mul3A_873 : vector<16xf32>
      %broadcast_in_dim3A_875 = arith.constant 29 : i32
      %broadcast_in_dim3A_876 = vector.broadcast %broadcast_in_dim3A_875 : i32 to vector<16xi32>
      %add3A_877 = arith.addi %add3A_628, %broadcast_in_dim3A_876 : vector<16xi32>
      %gather3A_878 = tpu.vector_load_idx %arg4[%add3A_877] : memref<5248xf32, #tpu.memory_space<vmem>>[vector<16xi32>], vector<16xf32>,
      %add3A_879 = arith.addi %add3A_634, %broadcast_in_dim3A_876 : vector<16xi32>
      %gather3A_880 = tpu.vector_load_idx %arg4[%add3A_879] : memref<5248xf32, #tpu.memory_space<vmem>>[vector<16xi32>], vector<16xf32>,
      %mul3A_881 = arith.mulf %gather3A_878, %gather3A_880 : vector<16xf32>
      %add3A_882 = arith.addf %add3A_850, %mul3A_881 : vector<16xf32>
      %broadcast_in_dim3A_883 = arith.constant 30 : i32
      %broadcast_in_dim3A_884 = vector.broadcast %broadcast_in_dim3A_883 : i32 to vector<16xi32>
      %add3A_885 = arith.addi %add3A_628, %broadcast_in_dim3A_884 : vector<16xi32>
      %gather3A_886 = tpu.vector_load_idx %arg4[%add3A_885] : memref<5248xf32, #tpu.memory_space<vmem>>[vector<16xi32>], vector<16xf32>,
      %add3A_887 = arith.addi %add3A_634, %broadcast_in_dim3A_884 : vector<16xi32>
      %gather3A_888 = tpu.vector_load_idx %arg4[%add3A_887] : memref<5248xf32, #tpu.memory_space<vmem>>[vector<16xi32>], vector<16xf32>,
      %mul3A_889 = arith.mulf %gather3A_886, %gather3A_888 : vector<16xf32>
      %add3A_890 = arith.addf %add3A_858, %mul3A_889 : vector<16xf32>
      %broadcast_in_dim3A_891 = arith.constant 31 : i32
      %broadcast_in_dim3A_892 = vector.broadcast %broadcast_in_dim3A_891 : i32 to vector<16xi32>
      %add3A_893 = arith.addi %add3A_628, %broadcast_in_dim3A_892 : vector<16xi32>
      %gather3A_894 = tpu.vector_load_idx %arg4[%add3A_893] : memref<5248xf32, #tpu.memory_space<vmem>>[vector<16xi32>], vector<16xf32>,
      %add3A_895 = arith.addi %add3A_634, %broadcast_in_dim3A_892 : vector<16xi32>
      %gather3A_896 = tpu.vector_load_idx %arg4[%add3A_895] : memref<5248xf32, #tpu.memory_space<vmem>>[vector<16xi32>], vector<16xf32>,
      %mul3A_897 = arith.mulf %gather3A_894, %gather3A_896 : vector<16xf32>
      %add3A_898 = arith.addf %add3A_866, %mul3A_897 : vector<16xf32>
      %broadcast_in_dim3A_899 = arith.constant 32 : i32
      %broadcast_in_dim3A_900 = vector.broadcast %broadcast_in_dim3A_899 : i32 to vector<16xi32>
      %add3A_901 = arith.addi %add3A_628, %broadcast_in_dim3A_900 : vector<16xi32>
      %gather3A_902 = tpu.vector_load_idx %arg4[%add3A_901] : memref<5248xf32, #tpu.memory_space<vmem>>[vector<16xi32>], vector<16xf32>,
      %add3A_903 = arith.addi %add3A_634, %broadcast_in_dim3A_900 : vector<16xi32>
      %gather3A_904 = tpu.vector_load_idx %arg4[%add3A_903] : memref<5248xf32, #tpu.memory_space<vmem>>[vector<16xi32>], vector<16xf32>,
      %mul3A_905 = arith.mulf %gather3A_902, %gather3A_904 : vector<16xf32>
      %add3A_906 = arith.addf %add3A_874, %mul3A_905 : vector<16xf32>
      %broadcast_in_dim3A_907 = arith.constant 33 : i32
      %broadcast_in_dim3A_908 = vector.broadcast %broadcast_in_dim3A_907 : i32 to vector<16xi32>
      %add3A_909 = arith.addi %add3A_628, %broadcast_in_dim3A_908 : vector<16xi32>
      %gather3A_910 = tpu.vector_load_idx %arg4[%add3A_909] : memref<5248xf32, #tpu.memory_space<vmem>>[vector<16xi32>], vector<16xf32>,
      %add3A_911 = arith.addi %add3A_634, %broadcast_in_dim3A_908 : vector<16xi32>
      %gather3A_912 = tpu.vector_load_idx %arg4[%add3A_911] : memref<5248xf32, #tpu.memory_space<vmem>>[vector<16xi32>], vector<16xf32>,
      %mul3A_913 = arith.mulf %gather3A_910, %gather3A_912 : vector<16xf32>
      %add3A_914 = arith.addf %add3A_882, %mul3A_913 : vector<16xf32>
      %broadcast_in_dim3A_915 = arith.constant 34 : i32
      %broadcast_in_dim3A_916 = vector.broadcast %broadcast_in_dim3A_915 : i32 to vector<16xi32>
      %add3A_917 = arith.addi %add3A_628, %broadcast_in_dim3A_916 : vector<16xi32>
      %gather3A_918 = tpu.vector_load_idx %arg4[%add3A_917] : memref<5248xf32, #tpu.memory_space<vmem>>[vector<16xi32>], vector<16xf32>,
      %add3A_919 = arith.addi %add3A_634, %broadcast_in_dim3A_916 : vector<16xi32>
      %gather3A_920 = tpu.vector_load_idx %arg4[%add3A_919] : memref<5248xf32, #tpu.memory_space<vmem>>[vector<16xi32>], vector<16xf32>,
      %mul3A_921 = arith.mulf %gather3A_918, %gather3A_920 : vector<16xf32>
      %add3A_922 = arith.addf %add3A_890, %mul3A_921 : vector<16xf32>
      %broadcast_in_dim3A_923 = arith.constant 35 : i32
      %broadcast_in_dim3A_924 = vector.broadcast %broadcast_in_dim3A_923 : i32 to vector<16xi32>
      %add3A_925 = arith.addi %add3A_628, %broadcast_in_dim3A_924 : vector<16xi32>
      %gather3A_926 = tpu.vector_load_idx %arg4[%add3A_925] : memref<5248xf32, #tpu.memory_space<vmem>>[vector<16xi32>], vector<16xf32>,
      %add3A_927 = arith.addi %add3A_634, %broadcast_in_dim3A_924 : vector<16xi32>
      %gather3A_928 = tpu.vector_load_idx %arg4[%add3A_927] : memref<5248xf32, #tpu.memory_space<vmem>>[vector<16xi32>], vector<16xf32>,
      %mul3A_929 = arith.mulf %gather3A_926, %gather3A_928 : vector<16xf32>
      %add3A_930 = arith.addf %add3A_898, %mul3A_929 : vector<16xf32>
      %broadcast_in_dim3A_931 = arith.constant 36 : i32
      %broadcast_in_dim3A_932 = vector.broadcast %broadcast_in_dim3A_931 : i32 to vector<16xi32>
      %add3A_933 = arith.addi %add3A_628, %broadcast_in_dim3A_932 : vector<16xi32>
      %gather3A_934 = tpu.vector_load_idx %arg4[%add3A_933] : memref<5248xf32, #tpu.memory_space<vmem>>[vector<16xi32>], vector<16xf32>,
      %add3A_935 = arith.addi %add3A_634, %broadcast_in_dim3A_932 : vector<16xi32>
      %gather3A_936 = tpu.vector_load_idx %arg4[%add3A_935] : memref<5248xf32, #tpu.memory_space<vmem>>[vector<16xi32>], vector<16xf32>,
      %mul3A_937 = arith.mulf %gather3A_934, %gather3A_936 : vector<16xf32>
      %add3A_938 = arith.addf %add3A_906, %mul3A_937 : vector<16xf32>
      %broadcast_in_dim3A_939 = arith.constant 37 : i32
      %broadcast_in_dim3A_940 = vector.broadcast %broadcast_in_dim3A_939 : i32 to vector<16xi32>
      %add3A_941 = arith.addi %add3A_628, %broadcast_in_dim3A_940 : vector<16xi32>
      %gather3A_942 = tpu.vector_load_idx %arg4[%add3A_941] : memref<5248xf32, #tpu.memory_space<vmem>>[vector<16xi32>], vector<16xf32>,
      %add3A_943 = arith.addi %add3A_634, %broadcast_in_dim3A_940 : vector<16xi32>
      %gather3A_944 = tpu.vector_load_idx %arg4[%add3A_943] : memref<5248xf32, #tpu.memory_space<vmem>>[vector<16xi32>], vector<16xf32>,
      %mul3A_945 = arith.mulf %gather3A_942, %gather3A_944 : vector<16xf32>
      %add3A_946 = arith.addf %add3A_914, %mul3A_945 : vector<16xf32>
      %broadcast_in_dim3A_947 = arith.constant 38 : i32
      %broadcast_in_dim3A_948 = vector.broadcast %broadcast_in_dim3A_947 : i32 to vector<16xi32>
      %add3A_949 = arith.addi %add3A_628, %broadcast_in_dim3A_948 : vector<16xi32>
      %gather3A_950 = tpu.vector_load_idx %arg4[%add3A_949] : memref<5248xf32, #tpu.memory_space<vmem>>[vector<16xi32>], vector<16xf32>,
      %add3A_951 = arith.addi %add3A_634, %broadcast_in_dim3A_948 : vector<16xi32>
      %gather3A_952 = tpu.vector_load_idx %arg4[%add3A_951] : memref<5248xf32, #tpu.memory_space<vmem>>[vector<16xi32>], vector<16xf32>,
      %mul3A_953 = arith.mulf %gather3A_950, %gather3A_952 : vector<16xf32>
      %add3A_954 = arith.addf %add3A_922, %mul3A_953 : vector<16xf32>
      %broadcast_in_dim3A_955 = arith.constant 39 : i32
      %broadcast_in_dim3A_956 = vector.broadcast %broadcast_in_dim3A_955 : i32 to vector<16xi32>
      %add3A_957 = arith.addi %add3A_628, %broadcast_in_dim3A_956 : vector<16xi32>
      %gather3A_958 = tpu.vector_load_idx %arg4[%add3A_957] : memref<5248xf32, #tpu.memory_space<vmem>>[vector<16xi32>], vector<16xf32>,
      %add3A_959 = arith.addi %add3A_634, %broadcast_in_dim3A_956 : vector<16xi32>
      %gather3A_960 = tpu.vector_load_idx %arg4[%add3A_959] : memref<5248xf32, #tpu.memory_space<vmem>>[vector<16xi32>], vector<16xf32>,
      %mul3A_961 = arith.mulf %gather3A_958, %gather3A_960 : vector<16xf32>
      %add3A_962 = arith.addf %add3A_930, %mul3A_961 : vector<16xf32>
      %broadcast_in_dim3A_963 = arith.constant 40 : i32
      %broadcast_in_dim3A_964 = vector.broadcast %broadcast_in_dim3A_963 : i32 to vector<16xi32>
      %add3A_965 = arith.addi %add3A_628, %broadcast_in_dim3A_964 : vector<16xi32>
      %gather3A_966 = tpu.vector_load_idx %arg4[%add3A_965] : memref<5248xf32, #tpu.memory_space<vmem>>[vector<16xi32>], vector<16xf32>,
      %add3A_967 = arith.addi %add3A_634, %broadcast_in_dim3A_964 : vector<16xi32>
      %gather3A_968 = tpu.vector_load_idx %arg4[%add3A_967] : memref<5248xf32, #tpu.memory_space<vmem>>[vector<16xi32>], vector<16xf32>,
      %mul3A_969 = arith.mulf %gather3A_966, %gather3A_968 : vector<16xf32>
      %add3A_970 = arith.addf %add3A_938, %mul3A_969 : vector<16xf32>
      %broadcast_in_dim3A_971 = arith.constant 41 : i32
      %broadcast_in_dim3A_972 = vector.broadcast %broadcast_in_dim3A_971 : i32 to vector<16xi32>
      %add3A_973 = arith.addi %add3A_628, %broadcast_in_dim3A_972 : vector<16xi32>
      %gather3A_974 = tpu.vector_load_idx %arg4[%add3A_973] : memref<5248xf32, #tpu.memory_space<vmem>>[vector<16xi32>], vector<16xf32>,
      %add3A_975 = arith.addi %add3A_634, %broadcast_in_dim3A_972 : vector<16xi32>
      %gather3A_976 = tpu.vector_load_idx %arg4[%add3A_975] : memref<5248xf32, #tpu.memory_space<vmem>>[vector<16xi32>], vector<16xf32>,
      %mul3A_977 = arith.mulf %gather3A_974, %gather3A_976 : vector<16xf32>
      %add3A_978 = arith.addf %add3A_946, %mul3A_977 : vector<16xf32>
      %broadcast_in_dim3A_979 = arith.constant 42 : i32
      %broadcast_in_dim3A_980 = vector.broadcast %broadcast_in_dim3A_979 : i32 to vector<16xi32>
      %add3A_981 = arith.addi %add3A_628, %broadcast_in_dim3A_980 : vector<16xi32>
      %gather3A_982 = tpu.vector_load_idx %arg4[%add3A_981] : memref<5248xf32, #tpu.memory_space<vmem>>[vector<16xi32>], vector<16xf32>,
      %add3A_983 = arith.addi %add3A_634, %broadcast_in_dim3A_980 : vector<16xi32>
      %gather3A_984 = tpu.vector_load_idx %arg4[%add3A_983] : memref<5248xf32, #tpu.memory_space<vmem>>[vector<16xi32>], vector<16xf32>,
      %mul3A_985 = arith.mulf %gather3A_982, %gather3A_984 : vector<16xf32>
      %add3A_986 = arith.addf %add3A_954, %mul3A_985 : vector<16xf32>
      %broadcast_in_dim3A_987 = arith.constant 43 : i32
      %broadcast_in_dim3A_988 = vector.broadcast %broadcast_in_dim3A_987 : i32 to vector<16xi32>
      %add3A_989 = arith.addi %add3A_628, %broadcast_in_dim3A_988 : vector<16xi32>
      %gather3A_990 = tpu.vector_load_idx %arg4[%add3A_989] : memref<5248xf32, #tpu.memory_space<vmem>>[vector<16xi32>], vector<16xf32>,
      %add3A_991 = arith.addi %add3A_634, %broadcast_in_dim3A_988 : vector<16xi32>
      %gather3A_992 = tpu.vector_load_idx %arg4[%add3A_991] : memref<5248xf32, #tpu.memory_space<vmem>>[vector<16xi32>], vector<16xf32>,
      %mul3A_993 = arith.mulf %gather3A_990, %gather3A_992 : vector<16xf32>
      %add3A_994 = arith.addf %add3A_962, %mul3A_993 : vector<16xf32>
      %broadcast_in_dim3A_995 = arith.constant 44 : i32
      %broadcast_in_dim3A_996 = vector.broadcast %broadcast_in_dim3A_995 : i32 to vector<16xi32>
      %add3A_997 = arith.addi %add3A_628, %broadcast_in_dim3A_996 : vector<16xi32>
      %gather3A_998 = tpu.vector_load_idx %arg4[%add3A_997] : memref<5248xf32, #tpu.memory_space<vmem>>[vector<16xi32>], vector<16xf32>,
      %add3A_999 = arith.addi %add3A_634, %broadcast_in_dim3A_996 : vector<16xi32>
      %gather3A_1000 = tpu.vector_load_idx %arg4[%add3A_999] : memref<5248xf32, #tpu.memory_space<vmem>>[vector<16xi32>], vector<16xf32>,
      %mul3A_1001 = arith.mulf %gather3A_998, %gather3A_1000 : vector<16xf32>
      %add3A_1002 = arith.addf %add3A_970, %mul3A_1001 : vector<16xf32>
      %broadcast_in_dim3A_1003 = arith.constant 45 : i32
      %broadcast_in_dim3A_1004 = vector.broadcast %broadcast_in_dim3A_1003 : i32 to vector<16xi32>
      %add3A_1005 = arith.addi %add3A_628, %broadcast_in_dim3A_1004 : vector<16xi32>
      %gather3A_1006 = tpu.vector_load_idx %arg4[%add3A_1005] : memref<5248xf32, #tpu.memory_space<vmem>>[vector<16xi32>], vector<16xf32>,
      %add3A_1007 = arith.addi %add3A_634, %broadcast_in_dim3A_1004 : vector<16xi32>
      %gather3A_1008 = tpu.vector_load_idx %arg4[%add3A_1007] : memref<5248xf32, #tpu.memory_space<vmem>>[vector<16xi32>], vector<16xf32>,
      %mul3A_1009 = arith.mulf %gather3A_1006, %gather3A_1008 : vector<16xf32>
      %add3A_1010 = arith.addf %add3A_978, %mul3A_1009 : vector<16xf32>
      %broadcast_in_dim3A_1011 = arith.constant 46 : i32
      %broadcast_in_dim3A_1012 = vector.broadcast %broadcast_in_dim3A_1011 : i32 to vector<16xi32>
      %add3A_1013 = arith.addi %add3A_628, %broadcast_in_dim3A_1012 : vector<16xi32>
      %gather3A_1014 = tpu.vector_load_idx %arg4[%add3A_1013] : memref<5248xf32, #tpu.memory_space<vmem>>[vector<16xi32>], vector<16xf32>,
      %add3A_1015 = arith.addi %add3A_634, %broadcast_in_dim3A_1012 : vector<16xi32>
      %gather3A_1016 = tpu.vector_load_idx %arg4[%add3A_1015] : memref<5248xf32, #tpu.memory_space<vmem>>[vector<16xi32>], vector<16xf32>,
      %mul3A_1017 = arith.mulf %gather3A_1014, %gather3A_1016 : vector<16xf32>
      %add3A_1018 = arith.addf %add3A_986, %mul3A_1017 : vector<16xf32>
      %broadcast_in_dim3A_1019 = arith.constant 47 : i32
      %broadcast_in_dim3A_1020 = vector.broadcast %broadcast_in_dim3A_1019 : i32 to vector<16xi32>
      %add3A_1021 = arith.addi %add3A_628, %broadcast_in_dim3A_1020 : vector<16xi32>
      %gather3A_1022 = tpu.vector_load_idx %arg4[%add3A_1021] : memref<5248xf32, #tpu.memory_space<vmem>>[vector<16xi32>], vector<16xf32>,
      %add3A_1023 = arith.addi %add3A_634, %broadcast_in_dim3A_1020 : vector<16xi32>
      %gather3A_1024 = tpu.vector_load_idx %arg4[%add3A_1023] : memref<5248xf32, #tpu.memory_space<vmem>>[vector<16xi32>], vector<16xf32>,
      %mul3A_1025 = arith.mulf %gather3A_1022, %gather3A_1024 : vector<16xf32>
      %add3A_1026 = arith.addf %add3A_994, %mul3A_1025 : vector<16xf32>
      %broadcast_in_dim3A_1027 = arith.constant 48 : i32
      %broadcast_in_dim3A_1028 = vector.broadcast %broadcast_in_dim3A_1027 : i32 to vector<16xi32>
      %add3A_1029 = arith.addi %add3A_628, %broadcast_in_dim3A_1028 : vector<16xi32>
      %gather3A_1030 = tpu.vector_load_idx %arg4[%add3A_1029] : memref<5248xf32, #tpu.memory_space<vmem>>[vector<16xi32>], vector<16xf32>,
      %add3A_1031 = arith.addi %add3A_634, %broadcast_in_dim3A_1028 : vector<16xi32>
      %gather3A_1032 = tpu.vector_load_idx %arg4[%add3A_1031] : memref<5248xf32, #tpu.memory_space<vmem>>[vector<16xi32>], vector<16xf32>,
      %mul3A_1033 = arith.mulf %gather3A_1030, %gather3A_1032 : vector<16xf32>
      %add3A_1034 = arith.addf %add3A_1002, %mul3A_1033 : vector<16xf32>
      %broadcast_in_dim3A_1035 = arith.constant 49 : i32
      %broadcast_in_dim3A_1036 = vector.broadcast %broadcast_in_dim3A_1035 : i32 to vector<16xi32>
      %add3A_1037 = arith.addi %add3A_628, %broadcast_in_dim3A_1036 : vector<16xi32>
      %gather3A_1038 = tpu.vector_load_idx %arg4[%add3A_1037] : memref<5248xf32, #tpu.memory_space<vmem>>[vector<16xi32>], vector<16xf32>,
      %add3A_1039 = arith.addi %add3A_634, %broadcast_in_dim3A_1036 : vector<16xi32>
      %gather3A_1040 = tpu.vector_load_idx %arg4[%add3A_1039] : memref<5248xf32, #tpu.memory_space<vmem>>[vector<16xi32>], vector<16xf32>,
      %mul3A_1041 = arith.mulf %gather3A_1038, %gather3A_1040 : vector<16xf32>
      %add3A_1042 = arith.addf %add3A_1010, %mul3A_1041 : vector<16xf32>
      %broadcast_in_dim3A_1043 = arith.constant 50 : i32
      %broadcast_in_dim3A_1044 = vector.broadcast %broadcast_in_dim3A_1043 : i32 to vector<16xi32>
      %add3A_1045 = arith.addi %add3A_628, %broadcast_in_dim3A_1044 : vector<16xi32>
      %gather3A_1046 = tpu.vector_load_idx %arg4[%add3A_1045] : memref<5248xf32, #tpu.memory_space<vmem>>[vector<16xi32>], vector<16xf32>,
      %add3A_1047 = arith.addi %add3A_634, %broadcast_in_dim3A_1044 : vector<16xi32>
      %gather3A_1048 = tpu.vector_load_idx %arg4[%add3A_1047] : memref<5248xf32, #tpu.memory_space<vmem>>[vector<16xi32>], vector<16xf32>,
      %mul3A_1049 = arith.mulf %gather3A_1046, %gather3A_1048 : vector<16xf32>
      %add3A_1050 = arith.addf %add3A_1018, %mul3A_1049 : vector<16xf32>
      %broadcast_in_dim3A_1051 = arith.constant 51 : i32
      %broadcast_in_dim3A_1052 = vector.broadcast %broadcast_in_dim3A_1051 : i32 to vector<16xi32>
      %add3A_1053 = arith.addi %add3A_628, %broadcast_in_dim3A_1052 : vector<16xi32>
      %gather3A_1054 = tpu.vector_load_idx %arg4[%add3A_1053] : memref<5248xf32, #tpu.memory_space<vmem>>[vector<16xi32>], vector<16xf32>,
      %add3A_1055 = arith.addi %add3A_634, %broadcast_in_dim3A_1052 : vector<16xi32>
      %gather3A_1056 = tpu.vector_load_idx %arg4[%add3A_1055] : memref<5248xf32, #tpu.memory_space<vmem>>[vector<16xi32>], vector<16xf32>,
      %mul3A_1057 = arith.mulf %gather3A_1054, %gather3A_1056 : vector<16xf32>
      %add3A_1058 = arith.addf %add3A_1026, %mul3A_1057 : vector<16xf32>
      %broadcast_in_dim3A_1059 = arith.constant 52 : i32
      %broadcast_in_dim3A_1060 = vector.broadcast %broadcast_in_dim3A_1059 : i32 to vector<16xi32>
      %add3A_1061 = arith.addi %add3A_628, %broadcast_in_dim3A_1060 : vector<16xi32>
      %gather3A_1062 = tpu.vector_load_idx %arg4[%add3A_1061] : memref<5248xf32, #tpu.memory_space<vmem>>[vector<16xi32>], vector<16xf32>,
      %add3A_1063 = arith.addi %add3A_634, %broadcast_in_dim3A_1060 : vector<16xi32>
      %gather3A_1064 = tpu.vector_load_idx %arg4[%add3A_1063] : memref<5248xf32, #tpu.memory_space<vmem>>[vector<16xi32>], vector<16xf32>,
      %mul3A_1065 = arith.mulf %gather3A_1062, %gather3A_1064 : vector<16xf32>
      %add3A_1066 = arith.addf %add3A_1034, %mul3A_1065 : vector<16xf32>
      %broadcast_in_dim3A_1067 = arith.constant 53 : i32
      %broadcast_in_dim3A_1068 = vector.broadcast %broadcast_in_dim3A_1067 : i32 to vector<16xi32>
      %add3A_1069 = arith.addi %add3A_628, %broadcast_in_dim3A_1068 : vector<16xi32>
      %gather3A_1070 = tpu.vector_load_idx %arg4[%add3A_1069] : memref<5248xf32, #tpu.memory_space<vmem>>[vector<16xi32>], vector<16xf32>,
      %add3A_1071 = arith.addi %add3A_634, %broadcast_in_dim3A_1068 : vector<16xi32>
      %gather3A_1072 = tpu.vector_load_idx %arg4[%add3A_1071] : memref<5248xf32, #tpu.memory_space<vmem>>[vector<16xi32>], vector<16xf32>,
      %mul3A_1073 = arith.mulf %gather3A_1070, %gather3A_1072 : vector<16xf32>
      %add3A_1074 = arith.addf %add3A_1042, %mul3A_1073 : vector<16xf32>
      %broadcast_in_dim3A_1075 = arith.constant 54 : i32
      %broadcast_in_dim3A_1076 = vector.broadcast %broadcast_in_dim3A_1075 : i32 to vector<16xi32>
      %add3A_1077 = arith.addi %add3A_628, %broadcast_in_dim3A_1076 : vector<16xi32>
      %gather3A_1078 = tpu.vector_load_idx %arg4[%add3A_1077] : memref<5248xf32, #tpu.memory_space<vmem>>[vector<16xi32>], vector<16xf32>,
      %add3A_1079 = arith.addi %add3A_634, %broadcast_in_dim3A_1076 : vector<16xi32>
      %gather3A_1080 = tpu.vector_load_idx %arg4[%add3A_1079] : memref<5248xf32, #tpu.memory_space<vmem>>[vector<16xi32>], vector<16xf32>,
      %mul3A_1081 = arith.mulf %gather3A_1078, %gather3A_1080 : vector<16xf32>
      %add3A_1082 = arith.addf %add3A_1050, %mul3A_1081 : vector<16xf32>
      %broadcast_in_dim3A_1083 = arith.constant 55 : i32
      %broadcast_in_dim3A_1084 = vector.broadcast %broadcast_in_dim3A_1083 : i32 to vector<16xi32>
      %add3A_1085 = arith.addi %add3A_628, %broadcast_in_dim3A_1084 : vector<16xi32>
      %gather3A_1086 = tpu.vector_load_idx %arg4[%add3A_1085] : memref<5248xf32, #tpu.memory_space<vmem>>[vector<16xi32>], vector<16xf32>,
      %add3A_1087 = arith.addi %add3A_634, %broadcast_in_dim3A_1084 : vector<16xi32>
      %gather3A_1088 = tpu.vector_load_idx %arg4[%add3A_1087] : memref<5248xf32, #tpu.memory_space<vmem>>[vector<16xi32>], vector<16xf32>,
      %mul3A_1089 = arith.mulf %gather3A_1086, %gather3A_1088 : vector<16xf32>
      %add3A_1090 = arith.addf %add3A_1058, %mul3A_1089 : vector<16xf32>
      %broadcast_in_dim3A_1091 = arith.constant 56 : i32
      %broadcast_in_dim3A_1092 = vector.broadcast %broadcast_in_dim3A_1091 : i32 to vector<16xi32>
      %add3A_1093 = arith.addi %add3A_628, %broadcast_in_dim3A_1092 : vector<16xi32>
      %gather3A_1094 = tpu.vector_load_idx %arg4[%add3A_1093] : memref<5248xf32, #tpu.memory_space<vmem>>[vector<16xi32>], vector<16xf32>,
      %add3A_1095 = arith.addi %add3A_634, %broadcast_in_dim3A_1092 : vector<16xi32>
      %gather3A_1096 = tpu.vector_load_idx %arg4[%add3A_1095] : memref<5248xf32, #tpu.memory_space<vmem>>[vector<16xi32>], vector<16xf32>,
      %mul3A_1097 = arith.mulf %gather3A_1094, %gather3A_1096 : vector<16xf32>
      %add3A_1098 = arith.addf %add3A_1066, %mul3A_1097 : vector<16xf32>
      %broadcast_in_dim3A_1099 = arith.constant 57 : i32
      %broadcast_in_dim3A_1100 = vector.broadcast %broadcast_in_dim3A_1099 : i32 to vector<16xi32>
      %add3A_1101 = arith.addi %add3A_628, %broadcast_in_dim3A_1100 : vector<16xi32>
      %gather3A_1102 = tpu.vector_load_idx %arg4[%add3A_1101] : memref<5248xf32, #tpu.memory_space<vmem>>[vector<16xi32>], vector<16xf32>,
      %add3A_1103 = arith.addi %add3A_634, %broadcast_in_dim3A_1100 : vector<16xi32>
      %gather3A_1104 = tpu.vector_load_idx %arg4[%add3A_1103] : memref<5248xf32, #tpu.memory_space<vmem>>[vector<16xi32>], vector<16xf32>,
      %mul3A_1105 = arith.mulf %gather3A_1102, %gather3A_1104 : vector<16xf32>
      %add3A_1106 = arith.addf %add3A_1074, %mul3A_1105 : vector<16xf32>
      %broadcast_in_dim3A_1107 = arith.constant 58 : i32
      %broadcast_in_dim3A_1108 = vector.broadcast %broadcast_in_dim3A_1107 : i32 to vector<16xi32>
      %add3A_1109 = arith.addi %add3A_628, %broadcast_in_dim3A_1108 : vector<16xi32>
      %gather3A_1110 = tpu.vector_load_idx %arg4[%add3A_1109] : memref<5248xf32, #tpu.memory_space<vmem>>[vector<16xi32>], vector<16xf32>,
      %add3A_1111 = arith.addi %add3A_634, %broadcast_in_dim3A_1108 : vector<16xi32>
      %gather3A_1112 = tpu.vector_load_idx %arg4[%add3A_1111] : memref<5248xf32, #tpu.memory_space<vmem>>[vector<16xi32>], vector<16xf32>,
      %mul3A_1113 = arith.mulf %gather3A_1110, %gather3A_1112 : vector<16xf32>
      %add3A_1114 = arith.addf %add3A_1082, %mul3A_1113 : vector<16xf32>
      %broadcast_in_dim3A_1115 = arith.constant 59 : i32
      %broadcast_in_dim3A_1116 = vector.broadcast %broadcast_in_dim3A_1115 : i32 to vector<16xi32>
      %add3A_1117 = arith.addi %add3A_628, %broadcast_in_dim3A_1116 : vector<16xi32>
      %gather3A_1118 = tpu.vector_load_idx %arg4[%add3A_1117] : memref<5248xf32, #tpu.memory_space<vmem>>[vector<16xi32>], vector<16xf32>,
      %add3A_1119 = arith.addi %add3A_634, %broadcast_in_dim3A_1116 : vector<16xi32>
      %gather3A_1120 = tpu.vector_load_idx %arg4[%add3A_1119] : memref<5248xf32, #tpu.memory_space<vmem>>[vector<16xi32>], vector<16xf32>,
      %mul3A_1121 = arith.mulf %gather3A_1118, %gather3A_1120 : vector<16xf32>
      %add3A_1122 = arith.addf %add3A_1090, %mul3A_1121 : vector<16xf32>
      %broadcast_in_dim3A_1123 = arith.constant 60 : i32
      %broadcast_in_dim3A_1124 = vector.broadcast %broadcast_in_dim3A_1123 : i32 to vector<16xi32>
      %add3A_1125 = arith.addi %add3A_628, %broadcast_in_dim3A_1124 : vector<16xi32>
      %gather3A_1126 = tpu.vector_load_idx %arg4[%add3A_1125] : memref<5248xf32, #tpu.memory_space<vmem>>[vector<16xi32>], vector<16xf32>,
      %add3A_1127 = arith.addi %add3A_634, %broadcast_in_dim3A_1124 : vector<16xi32>
      %gather3A_1128 = tpu.vector_load_idx %arg4[%add3A_1127] : memref<5248xf32, #tpu.memory_space<vmem>>[vector<16xi32>], vector<16xf32>,
      %mul3A_1129 = arith.mulf %gather3A_1126, %gather3A_1128 : vector<16xf32>
      %add3A_1130 = arith.addf %add3A_1098, %mul3A_1129 : vector<16xf32>
      %broadcast_in_dim3A_1131 = arith.constant 61 : i32
      %broadcast_in_dim3A_1132 = vector.broadcast %broadcast_in_dim3A_1131 : i32 to vector<16xi32>
      %add3A_1133 = arith.addi %add3A_628, %broadcast_in_dim3A_1132 : vector<16xi32>
      %gather3A_1134 = tpu.vector_load_idx %arg4[%add3A_1133] : memref<5248xf32, #tpu.memory_space<vmem>>[vector<16xi32>], vector<16xf32>,
      %add3A_1135 = arith.addi %add3A_634, %broadcast_in_dim3A_1132 : vector<16xi32>
      %gather3A_1136 = tpu.vector_load_idx %arg4[%add3A_1135] : memref<5248xf32, #tpu.memory_space<vmem>>[vector<16xi32>], vector<16xf32>,
      %mul3A_1137 = arith.mulf %gather3A_1134, %gather3A_1136 : vector<16xf32>
      %add3A_1138 = arith.addf %add3A_1106, %mul3A_1137 : vector<16xf32>
      %broadcast_in_dim3A_1139 = arith.constant 62 : i32
      %broadcast_in_dim3A_1140 = vector.broadcast %broadcast_in_dim3A_1139 : i32 to vector<16xi32>
      %add3A_1141 = arith.addi %add3A_628, %broadcast_in_dim3A_1140 : vector<16xi32>
      %gather3A_1142 = tpu.vector_load_idx %arg4[%add3A_1141] : memref<5248xf32, #tpu.memory_space<vmem>>[vector<16xi32>], vector<16xf32>,
      %add3A_1143 = arith.addi %add3A_634, %broadcast_in_dim3A_1140 : vector<16xi32>
      %gather3A_1144 = tpu.vector_load_idx %arg4[%add3A_1143] : memref<5248xf32, #tpu.memory_space<vmem>>[vector<16xi32>], vector<16xf32>,
      %mul3A_1145 = arith.mulf %gather3A_1142, %gather3A_1144 : vector<16xf32>
      %add3A_1146 = arith.addf %add3A_1114, %mul3A_1145 : vector<16xf32>
      %broadcast_in_dim3A_1147 = arith.constant 63 : i32
      %broadcast_in_dim3A_1148 = vector.broadcast %broadcast_in_dim3A_1147 : i32 to vector<16xi32>
      %add3A_1149 = arith.addi %add3A_628, %broadcast_in_dim3A_1148 : vector<16xi32>
      %gather3A_1150 = tpu.vector_load_idx %arg4[%add3A_1149] : memref<5248xf32, #tpu.memory_space<vmem>>[vector<16xi32>], vector<16xf32>,
      %add3A_1151 = arith.addi %add3A_634, %broadcast_in_dim3A_1148 : vector<16xi32>
      %gather3A_1152 = tpu.vector_load_idx %arg4[%add3A_1151] : memref<5248xf32, #tpu.memory_space<vmem>>[vector<16xi32>], vector<16xf32>,
      %mul3A_1153 = arith.mulf %gather3A_1150, %gather3A_1152 : vector<16xf32>
      %add3A_1154 = arith.addf %add3A_1122, %mul3A_1153 : vector<16xf32>
      %add3A_1155 = arith.addf %add3A_1130, %add3A_1138 : vector<16xf32>
      %add3A_1156 = arith.addf %add3A_1146, %add3A_1154 : vector<16xf32>
      %add3A_1157 = arith.addf %add3A_1155, %add3A_1156 : vector<16xf32>
      %add3A_1158 = arith.constant 4160 : i32
      %add3A_1159 = vector.broadcast %add3A_1158 : i32 to vector<16xi32>
      %add3A_1160 = arith.addi %add3A_1159, %bitcast3A_619 : vector<16xi32>
      %gather3A_1161 = tpu.vector_load_idx %arg4[%add3A_1160] : memref<5248xf32, #tpu.memory_space<vmem>>[vector<16xi32>], vector<16xf32>,
      %add3A_1162 = arith.constant 4160 : i32
      %add3A_1163 = vector.broadcast %add3A_1162 : i32 to vector<16xi32>
      %add3A_1164 = arith.addi %add3A_1163, %bitcast3A_622 : vector<16xi32>
      %gather3A_1165 = tpu.vector_load_idx %arg4[%add3A_1164] : memref<5248xf32, #tpu.memory_space<vmem>>[vector<16xi32>], vector<16xf32>,
      %shift_left3A_1166 = arith.constant 5 : i32
      %shift_left3A_1167 = vector.broadcast %shift_left3A_1166 : i32 to vector<16xi32>
      %shift_left3A_1168 = arith.shli %bitcast3A_619, %shift_left3A_1167 : vector<16xi32>
      %add3A_1169 = arith.constant 4192 : i32
      %add3A_1170 = vector.broadcast %add3A_1169 : i32 to vector<16xi32>
      %add3A_1171 = arith.addi %add3A_1170, %shift_left3A_1168 : vector<16xi32>
      %add3A_1172 = arith.addi %add3A_1171, %bitcast3A_622 : vector<16xi32>
      %gather3A_1173 = tpu.vector_load_idx %arg4[%add3A_1172] : memref<5248xf32, #tpu.memory_space<vmem>>[vector<16xi32>], vector<16xf32>,
      %bitcast3A_1174 = vector.bitcast %gather3A_1173 : vector<16xf32> to vector<16xi32>
      %shift_right_arithmetic3A_1175 = arith.constant 23 : i32
      %shift_right_arithmetic3A_1176 = vector.broadcast %shift_right_arithmetic3A_1175 : i32 to vector<16xi32>
      %shift_right_arithmetic3A_1177 = arith.shrsi %bitcast3A_1174, %shift_right_arithmetic3A_1176 : vector<16xi32>
      %and3A_1178 = arith.constant 255 : i32
      %and3A_1179 = vector.broadcast %and3A_1178 : i32 to vector<16xi32>
      %and3A_1180 = arith.andi %shift_right_arithmetic3A_1177, %and3A_1179 : vector<16xi32>
      %sub3A_1181 = arith.constant 127 : i32
      %sub3A_1182 = vector.broadcast %sub3A_1181 : i32 to vector<16xi32>
      %sub3A_1183 = arith.subi %and3A_1180, %sub3A_1182 : vector<16xi32>
      %and3A_1184 = arith.constant 8388607 : i32
      %and3A_1185 = vector.broadcast %and3A_1184 : i32 to vector<16xi32>
      %and3A_1186 = arith.andi %bitcast3A_1174, %and3A_1185 : vector<16xi32>
      %or3A_1187 = arith.constant 1065353216 : i32
      %or3A_1188 = vector.broadcast %or3A_1187 : i32 to vector<16xi32>
      %or3A_1189 = arith.ori %and3A_1186, %or3A_1188 : vector<16xi32>
      %bitcast3A_1190 = vector.bitcast %or3A_1189 : vector<16xi32> to vector<16xf32>
      %sub3A_1191 = arith.constant 1.000000e+00 : f32
      %sub3A_1192 = vector.broadcast %sub3A_1191 : f32 to vector<16xf32>
      %sub3A_1193 = arith.subf %bitcast3A_1190, %sub3A_1192 : vector<16xf32>
      %add3A_1194 = arith.constant 1.000000e+00 : f32
      %add3A_1195 = vector.broadcast %add3A_1194 : f32 to vector<16xf32>
      %add3A_1196 = arith.addf %bitcast3A_1190, %add3A_1195 : vector<16xf32>
      %div3A_1197 = arith.divf %sub3A_1193, %add3A_1196 : vector<16xf32>
      %mul3A_1198 = arith.mulf %div3A_1197, %div3A_1197 : vector<16xf32>
      %mul3A_1199 = arith.constant 0.111111112 : f32
      %mul3A_1200 = vector.broadcast %mul3A_1199 : f32 to vector<16xf32>
      %mul3A_1201 = arith.mulf %mul3A_1198, %mul3A_1200 : vector<16xf32>
      %add3A_1202 = arith.constant 0.142857149 : f32
      %add3A_1203 = vector.broadcast %add3A_1202 : f32 to vector<16xf32>
      %add3A_1204 = arith.addf %add3A_1203, %mul3A_1201 : vector<16xf32>
      %mul3A_1205 = arith.mulf %mul3A_1198, %add3A_1204 : vector<16xf32>
      %add3A_1206 = arith.constant 2.000000e-01 : f32
      %add3A_1207 = vector.broadcast %add3A_1206 : f32 to vector<16xf32>
      %add3A_1208 = arith.addf %add3A_1207, %mul3A_1205 : vector<16xf32>
      %mul3A_1209 = arith.mulf %mul3A_1198, %add3A_1208 : vector<16xf32>
      %add3A_1210 = arith.constant 0.333333343 : f32
      %add3A_1211 = vector.broadcast %add3A_1210 : f32 to vector<16xf32>
      %add3A_1212 = arith.addf %add3A_1211, %mul3A_1209 : vector<16xf32>
      %mul3A_1213 = arith.mulf %mul3A_1198, %add3A_1212 : vector<16xf32>
      %add3A_1214 = arith.constant 1.000000e+00 : f32
      %add3A_1215 = vector.broadcast %add3A_1214 : f32 to vector<16xf32>
      %add3A_1216 = arith.addf %add3A_1215, %mul3A_1213 : vector<16xf32>
      %convert_element_type3A_1217 = arith.sitofp %sub3A_1183 : vector<16xi32> to vector<16xf32>
      %mul3A_1218 = arith.constant 0.693147182 : f32
      %mul3A_1219 = vector.broadcast %mul3A_1218 : f32 to vector<16xf32>
      %mul3A_1220 = arith.mulf %convert_element_type3A_1217, %mul3A_1219 : vector<16xf32>
      %mul3A_1221 = arith.constant 2.000000e+00 : f32
      %mul3A_1222 = vector.broadcast %mul3A_1221 : f32 to vector<16xf32>
      %mul3A_1223 = arith.mulf %mul3A_1222, %div3A_1197 : vector<16xf32>
      %mul3A_1224 = arith.mulf %mul3A_1223, %add3A_1216 : vector<16xf32>
      %add3A_1225 = arith.addf %mul3A_1220, %mul3A_1224 : vector<16xf32>
      %lt3A_1226 = arith.constant 1.000000e+02 : f32
      %lt3A_1227 = vector.broadcast %lt3A_1226 : f32 to vector<16xf32>
      %lt3A_1228 = arith.cmpf olt, %gather3A_1173, %lt3A_1227 : vector<16xf32>
      %sub3A_1229 = arith.constant 4.60517025 : f32
      %sub3A_1230 = vector.broadcast %sub3A_1229 : f32 to vector<16xf32>
      %sub3A_1231 = arith.subf %add3A_1225, %sub3A_1230 : vector<16xf32>
      %mul3A_1232 = arith.constant 7.500000e-01 : f32
      %mul3A_1233 = vector.broadcast %mul3A_1232 : f32 to vector<16xf32>
      %mul3A_1234 = arith.mulf %mul3A_1233, %sub3A_1231 : vector<16xf32>
      %exp3A_1235 = math.exp %mul3A_1234 : vector<16xf32>
      %jit3A_1236 = arith.constant 1.000000e+00 : f32
      %broadcast_in_dim3A_1237 = vector.broadcast %jit3A_1236 : f32 to vector<16xf32>
      %select_n3A_1238 = arith.select %lt3A_1228, %exp3A_1235, %broadcast_in_dim3A_1237 : vector<16xi1>, vector<16xf32>
      %add3A_1239 = arith.addf %add3A_1157, %gather3A_1161 : vector<16xf32>
      %add3A_1240 = arith.addf %add3A_1239, %gather3A_1165 : vector<16xf32>
      %sub3A_1241 = arith.subf %add3A_1240, %add3A_1225 : vector<16xf32>
      %mul3A_1242 = arith.mulf %sub3A_1241, %sub3A_1241 : vector<16xf32>
      %mul3A_1243 = arith.mulf %mul3A_1242, %select_n3A_1238 : vector<16xf32>
      %add3A_1244 = arith.addf %add3A_616, %mul3A_1243 : vector<16xf32>
      %reduce_sum3A = arith.constant true
      %reduce_sum3A_1245 = vector.broadcast %reduce_sum3A : i1 to vector<16xi1>
      %reduce_sum3A_1246 = tpu.scan <sum>, %add3A_1244 masked %reduce_sum3A_1245 : vector<16xf32>, vector<16xi1> -> vector<16xf32>
      %reduce_sum3A_1247 = vector.extract %reduce_sum3A_1246[15] : f32 from vector<16xf32>
      %broadcast_in_dim3A_1248 = vector.broadcast %reduce_sum3A_1247 : f32 to vector<16xf32>
      %swap3A = arith.constant 0 : index
      %swap3A_1249 = tpu.vector_load %arg5[%swap3A] {strides = array<i32>} : memref<16xf32, #tpu.memory_space<vmem>>, vector<16xf32>,
      tpu.vector_store %arg5[%swap3A], %broadcast_in_dim3A_1248 {strides = array<i32>} : memref<16xf32, #tpu.memory_space<vmem>>, vector<16xf32>,
      "tpu.region"() ({
        %run_scoped3A = tpu.sem_alloc : memref<!tpu.dma_semaphore, #tpu.memory_space<semaphore_mem>>
        tpu.enqueue_dma source(%arg5 : memref<16xf32, #tpu.memory_space<vmem>>) target(%arg3 : memref<16xf32, #tpu.memory_space<hbm>>) target_semaphore(%run_scoped3A : memref<!tpu.dma_semaphore, #tpu.memory_space<semaphore_mem>>)
        tpu.wait_dma2 semaphore(%run_scoped3A : memref<!tpu.dma_semaphore, #tpu.memory_space<semaphore_mem>>) src(%arg5 : memref<16xf32, #tpu.memory_space<vmem>>) dst(%arg3 : memref<16xf32, #tpu.memory_space<hbm>>)
        tpu.yield
      }) : () -> ()
    } else {
    }
    return
  }
}

</mosaic_0001>

<sc_bundles>
// kernel: kernel.3.cloned.1.call-start
scs
__scs_entry_jumppad:
0x0: {  	(pc) =	sbr.rel $0x88, $3  }
0x1: {  	(tag) =	ssettag $0x0;
	lr =	simm.s32 $0x1  }
0x2: {  	[smem:$0x3F9A] =	sst lr;
	_ =	strace $0xD0000000  }
0x3: {  	_ = 	snop  }
0x4: {  	_ = 	snop  }
0x5: {  	_ = 	snop  }
0x6: {  	_ = 	snop  }
0x7: {  	_ = 	snop  }
__scs_overlays_trampoline_lowered:
0x8: {  	[smem:$0x3FA9] =	sst s0  }
0x9: {  	[smem:$0x3FAA] =	sst s1  }
0xa: {  	[smem:$0x3FAB] =	sst s2  }
0xb: {  	[smem:$0x3FAC] =	sst s3  }
0xc: {  	[smem:$0x3FAD] =	sst s4  }
0xd: {  	[smem:$0x3FAE] =	sst s5  }
0xe: {  	[smem:$0x3FAF] =	sst s6  }
0xf: {  	[smem:$0x3FB0] =	sst s7  }
0x10: {  	[smem:$0x3FB1] =	sst s8  }
0x11: {  	[smem:$0x3FB2] =	sst s9;
	s0 =	simm.s32 @!p0 $0x0  }
0x12: {  	s1 =	sld [smem:$0x3F98];
	s0 =	simm.s32 @p0 $0x1  }
0x13: {  	[smem:$0x3FB3] =	sst s0;
	s0 =	simm.s32 @!p1 $0x0  }
0x14: {  	s2 =	sld [smem:$0x3F97];
	s0 =	simm.s32 @p1 $0x1  }
0x15: {  	[smem:$0x3FB4] =	sst s0;
	s0 =	simm.s32 @!p2 $0x0  }
0x16: {  	s3 =	sld [smem:$0x3FDB];
	s0 =	simm.s32 @p2 $0x1  }
0x17: {  	s4 =	simm.s32 $0x1BF5;
	[smem:$0x3FB6] =	sst s0  }
0x18: {  	s0 =	sld [smem:$0x3F99];
	_ =	swait.ge [sflag:s4], $0x0  }
0x19: {  	s7 =	sld [smem:$0x3F9A]  }
0x1a: {  	s8 =	sadd.s32 $0xFFFFE003, lr  }
0x1b: {  	s9 =	sadd.s32 $0xFFFFFEF7, lr;
	s5 =	simm.s32 $0xFFFFFFFF;
	p2 =	slt.u32 s8, $0xFFFFF086  }
0x1c: {  	p1 =	slt.u32 s9, $0xF7A;
	s5 =	simm.s32 @!p2 $0x0  }
0x1d: {  	s5 =	simm.s32 @p1 $0x1;
	p0 =	seq.s32 s7, s2  }
0x1e: {  	s7 =	smul.u32 @!p0 $0xF7A, s2;
	p2 =	seq.s32 @!p0 s5, $0x0  }
0x1f: {  	s9 =	smul.u32 $0xF7A, s1;
	s8 =	simm.s32 @!p0 $0x1BF5;
	p2 =	por !p2, p0  }
0x20: {  	[sflag:s8] =	ssyncset.s32 @!p0 $0xFFFFF086;
	s6 =	sadd.s32 @!p0 s3, s7;
	s7 =	simm.s32 @!p0 $0x108  }
0x21: {  	s3 =	sadd.s32 s3, s9;
	s6 =	sadd.s32 @!p0 $0x88, s6;
	s7 =	simm.s32 @p2 $0x1082  }
0x22: {  	[simem:s7], [sflag:s8] =	dma.local @!p0 [hbm:s6], $0xF7A  }
0x23: {  	s9 =	sor.u32 $0xD0000000, s2;
	s6 =	simm.s32 $0x108;
	_ =	swait.ge @!p0 [sflag:s8], $0x0  }
0x24: {  	s3 =	sadd.s32 $0x88, s3;
	s6 =	simm.s32 @!p1 $0x1082;
	[sflag:s4] =	ssyncset.s32 $0xFFFFF086  }
0x25: {  	[simem:s6], [sflag:s4] =	dma.local [hbm:s3], $0xF7A  }
0x26: {  	[smem:$0x3F9A] =	sst s1;
	(tag) =	ssettag s2;
	_ =	strace s9  }
0x27: {  	s1 =	sld [smem:$0x3FAA]  }
0x28: {  	s2 =	sld [smem:$0x3FAB]  }
0x29: {  	s4 =	sld [smem:$0x3FAD]  }
0x2a: {  	p0 =	seq.s32 s5, $0x0;
	s5 =	sld [smem:$0x3FAE]  }
0x2b: {  	s6 =	sld [smem:$0x3FAF]  }
0x2c: {  	s7 =	sld [smem:$0x3FB0]  }
0x2d: {  	s3 =	simm.s32 $0x108;
	s8 =	sld [smem:$0x3FB1]  }
0x2e: {  	s3 =	simm.s32 @!p0 $0x1082;
	s9 =	sld [smem:$0x3FB2]  }
0x2f: {  	lr =	sadd.s32 s0, s3;
	s0 =	sld [smem:$0x3FA9]  }
0x30: {  	s3 =	sld [smem:$0x3FAC]  }
0x31: {  	[smem:$0x3FB5] =	sst s10  }
0x32: {  	s10 =	sld [smem:$0x3FB3];
	_ =	sdelay $0x3  }
0x33: {  	p0 =	seq.s32 s10, $0x1;
	s10 =	sld [smem:$0x3FB5];
	_ =	sdelay $0x3  }
0x34: {  	[smem:$0x3FB5] =	sst s10  }
0x35: {  	s10 =	sld [smem:$0x3FB4];
	_ =	sdelay $0x3  }
0x36: {  	p1 =	seq.s32 s10, $0x1;
	s10 =	sld [smem:$0x3FB5];
	_ =	sdelay $0x3  }
0x37: {  	[smem:$0x3FB5] =	sst s10  }
0x38: {  	s10 =	sld [smem:$0x3FB6]  }
0x39: {  	_ = 	snop;
	(pc) =	sbr.ind lr, $3  }
0x3a: {  	_ = 	snop  }
0x3b: {  	_ = 	snop  }
0x3c: {  	p2 =	seq.s32 s10, $0x1;
	s10 =	sld [smem:$0x3FB5]  }
0x3d: {  	_ =	shalt  }
0x3e: {  	_ =	shalt  }
0x3f: {  	_ =	shalt  }
0x40: {  	_ =	shalt  }
0x41: {  	_ =	shalt  }
0x42: {  	_ =	shalt  }
0x43: {  	_ =	shalt  }
0x44: {  	_ =	shalt  }
0x45: {  	_ =	shalt  }
0x46: {  	_ =	shalt  }
0x47: {  	_ =	shalt  }
0x48: {  	_ =	shalt  }
0x49: {  	_ =	shalt  }
0x4a: {  	_ =	shalt  }
0x4b: {  	_ =	shalt  }
0x4c: {  	_ =	shalt  }
0x4d: {  	_ =	shalt  }
0x4e: {  	_ =	shalt  }
0x4f: {  	_ =	shalt  }
0x50: {  	_ =	shalt  }
0x51: {  	_ =	shalt  }
0x52: {  	_ =	shalt  }
0x53: {  	_ =	shalt  }
0x54: {  	_ =	shalt  }
0x55: {  	_ =	shalt  }
0x56: {  	_ =	shalt  }
0x57: {  	_ =	shalt  }
0x58: {  	_ =	shalt  }
0x59: {  	_ =	shalt  }
0x5a: {  	_ =	shalt  }
0x5b: {  	_ =	shalt  }
0x5c: {  	_ =	shalt  }
0x5d: {  	_ =	shalt  }
0x5e: {  	_ =	shalt  }
0x5f: {  	_ =	shalt  }
0x60: {  	_ =	shalt  }
0x61: {  	_ =	shalt  }
0x62: {  	_ =	shalt  }
0x63: {  	_ =	shalt  }
0x64: {  	_ =	shalt  }
0x65: {  	_ =	shalt  }
0x66: {  	_ =	shalt  }
0x67: {  	_ =	shalt  }
0x68: {  	_ =	shalt  }
0x69: {  	_ =	shalt  }
0x6a: {  	_ =	shalt  }
0x6b: {  	_ =	shalt  }
0x6c: {  	_ =	shalt  }
0x6d: {  	_ =	shalt  }
0x6e: {  	_ =	shalt  }
0x6f: {  	_ =	shalt  }
0x70: {  	_ =	shalt  }
0x71: {  	_ =	shalt  }
0x72: {  	_ =	shalt  }
0x73: {  	_ =	shalt  }
0x74: {  	_ =	shalt  }
0x75: {  	_ =	shalt  }
0x76: {  	_ =	shalt  }
0x77: {  	_ =	shalt  }
0x78: {  	_ =	shalt  }
0x79: {  	_ =	shalt  }
0x7a: {  	_ =	shalt  }
0x7b: {  	_ =	shalt  }
0x7c: {  	_ =	shalt  }
0x7d: {  	_ =	shalt  }
0x7e: {  	_ =	shalt  }
0x7f: {  	_ =	shalt  }
0x80: {  	_ =	shalt  }
0x81: {  	_ =	shalt  }
0x82: {  	_ =	shalt  }
0x83: {  	_ =	shalt  }
0x84: {  	_ =	shalt  }
0x85: {  	_ =	shalt  }
0x86: {  	_ =	shalt  }
0x87: {  	_ =	shalt  }
.Lfunc_end0:
.L_simem_size_0:
called_computation_lowered:
.L_overlay_start_0:
0x88: {  	s0 =	sld [smem:$0x3FD9]  }
0x89: {  	s1 =	sld [smem:$0x3FFE];
	_ =	sdelay $0x3  }
0x8a: {  	s0 =	sadd.s32 s1, s0  }
0x8b: {  	[smem:$0x3FC1] =	sst s0  }
0x8c: {  	_ = 	snop  }
0x8d: {  	s0 =	sld [smem:$0x3FD0];
	(tm) =	ssettm $0x1  }
0x8e: {  	s16 =	sld [smem:$0x3FFB];
	_ =	sdelay $0x3  }
0x8f: {  	_ =	strace s16  }
0x90: {  	s1 =	sld [smem:$0x3FFC];
	_ =	sdelay $0x3  }
0x91: {  	_ =	strace s1  }
0x92: {  	s1 =	sld [smem:$0x3FFD];
	_ =	sdelay $0x3  }
0x93: {  	_ =	strace s1  }
0x94: {  	_ =	strace $0x8FFFFFFF  }
0x95: {  	s17 =	sld [smem:$0x3FDB];
	_ =	sdelay $0x1  }
0x96: {  	s2 =	simm.s32 $_scs_section_size  }
0x97: {  	s3 =	simm.s32 $_size__tile_overlayer_lowered;
	s4 =	simm.s32 $_tile_overlayer_lowered  }
0x98: {  	s20 =	simm.s32 $0x1BFF;
	s19 =	sshll.u32 s4, $0x1;
	s1 =	sadd.s32 s2, s17  }
0x99: {  	s5 =	simm.s32 $0x0;
	s18 =	sshll.u32 s3, $0x1;
	s3 =	sadd.s32 s19, s1  }
0x9a: {  	[timem:s5], [sflag:s20] =	dma.local [hbm:s3], s18  }
0x9b: {  	_ =	swait.ge [sflag:s20], s18  }
0x9c: {  	s2 =	ssub.s32 $0x0, s18;
	[sflag:s20] =	ssyncset.done $0x0  }
0x9d: {  	[sflag:s20] =	ssyncadd.s32 s2;
	_ =	sdelay $0x1  }
0x9e: {  	s21 =	simm.s32 $0x1B8B  }
0x9f: {  	_ =	swait.ge [sflag:s21], $0x1  }
0xa0: {  	[sflag:s21] =	ssyncset.done $0x0  }
0xa1: {  	s23 =	simm.s32 $0x1B8E;
	s22 =	sld [smem:$0x3FFE];
	[sflag:s21] =	ssyncadd.s32 $0xFFFFFFFF  }
0xa2: {  	s24 =	simm.s32 $execute0_lowered;
	[smem:$0x3FD2] =	sst s23  }
0xa3: {  	s3 =	sshll.u32 s24, $0x1;
	_ =	strace $0x80000046;
	[dreg:$0x1] =	wrdreg $0xFFFFFFFF  }
0xa4: {  	s25 =	simm.s32 $_size_execute0_lowered;
	s1 =	sadd.s32 s1, s3;
	[dreg:$0x0] =	wrdreg $0x0  }
0xa5: {  	s3 =	sshll.u32 s25, $0x1;
	[dreg:$0x2] =	wrdreg s1  }
0xa6: {  	[dreg:$0x3] =	wrdreg s3  }
0xa7: {  	[dreg:$0x4] =	wrdreg $0xC0  }
0xa8: {  	_ =	task [dreg:s5], $0x5FFFF  }
0xa9: {  	[dreg:$0x1] =	wrdreg $0xFFFFFFFF  }
0xaa: {  	[dreg:$0x0] =	wrdreg $0x60  }
0xab: {  	[dreg:$0x2] =	wrdreg s22  }
0xac: {  	[dreg:$0x3] =	wrdreg s0  }
0xad: {  	[dreg:$0x4] =	wrdreg $0x9  }
0xae: {  	_ =	task.clear_ibuf [dreg:s5], $0x5FFFF;
	_ =	strace $0x90000046  }
0xaf: {  	s26 =	simm.s32 $0x9;
	_ =	strace $0x80000048  }
0xb0: {  	_ =	swait.ge [sflag:s26], $0x1  }
0xb1: {  	[sflag:s26] =	ssyncadd.s32 $0xFFFFFFFF  }
0xb2: {  	_ =	strace $0x90000048  }
0xb3: {  	_ =	sfence  }
0xb4: {  	s28 =	sld [smem:$0x0];
	_ =	sdelay $0x1  }
0xb5: {  	s29 =	srdreg.scid  }
0xb6: {  	s30 =	sshll.u32 s29, $0xD;
	s31 =	sshrl.u32 s29, $0x2  }
0xb7: {  	s2 =	sand.u32 $0x4000, s30;
	s1 =	sand.u32 $0x1, s29;
	s0 =	sadd.s32 s31, s28  }
0xb8: {  	s1 =	sor.u32 s2, s1;
	s0 =	sshll.u32 s0, $0x11  }
0xb9: {  	s0 =	sor.u32 s0, s1  }
0xba: {  	s0 =	sadd.s32 $0x8F2B, s0  }
0xbb: {  	[sflag:s0] =	ssyncadd.remote.s32 $0x1  }
0xbc: {  	_ =	sfence.sel $0xFFFF  }
0xbd: {  	[dreg:$0x0] =	wrdreg $0xFFFFFFFF;
	(pc) =	sbr.abs _section_cstart, $3  }
0xbe: {  	[dreg:$0x1] =	wrdreg $0xFFFFFFFF  }
0xbf: {  	_ =	task.clear_ibuf [dreg:s5], $0x2FFFF;
	_ =	strace $0x9FFFFFFF  }
0xc0: {  	(tm) =	ssettm $0x7FFFFFFF  }
0xc1: {  	_ =	shalt  }
tec
execute0_lowered:
.L_overlay_start_1:
0x0: {  	(tag) =	ssettag $0x1  }
0x1: {  	s3 =	stileid.u32  }
0x2: {  	p0 =	sne.s32 s3, $0x0  }
.Ltmp0:
0x3: {  	_ = 	snop;
	(pc) =	sbr.rel @p0 .LBB2_2-.Ltmp0, $4  }
0x4: {  	_ = 	snop  }
0x5: {  	s2 =	rddreg [dreg:$0x0]  }
0x6: {  	s1 =	rddreg [dreg:$0x1]  }
0x7: {  	s0 =	rddreg [dreg:$0x2];
	_ =	strace $0x80000047  }
0x8: {  	s3 =	sadd.s32 $0x600, s2;
	s28 =	simm.s32 $0x0;
	s29 =	simm.s32 $0x1  }
0x9: {  	[tilespmem:s28], [sflag:$0x1] =	stream.linear.gather [hbm4b:s3+s28], $0x1480, $0x38;
	[tilespmem:$0x1490] =	vst v63  }
0xa: {  	_ =	swait.ge [sflag:s29], $0x1480  }
0xb: {  	[sflag:s29] =	ssyncset.done $0x0  }
0xc: {  	[sflag:s29] =	ssyncadd.s32 $0xFFFFEB80  }
0xd: {  	v24 =	vld [tilespmem:$0x0]  }
0xe: {  	v25 =	vld [tilespmem:$0x20];
	_ =	sdelay $0x3  }
0xf: {  	v5 =	vshll.u32 v24, $0x6  }
0x10: {  	v4 =	vshll.u32 v25, $0x6;
	v0 =	vadd.s32 $0x40, v5  }
0x11: {  	v1 =	vadd.s32 $0x40, v4  }
0x12: {  	v2 =	vadd.s32 $0x41, v5  }
0x13: {  	v3 =	vadd.s32 $0x41, v4  }
0x14: {  	v6 =	vadd.s32 $0x42, v5  }
0x15: {  	v55 =	vadd.s32 $0x42, v4;
	v54 =	vld.idx.msk [tilespmem:v0+s28+$0x0], $0xffff  }
0x16: {  	v56 =	vadd.s32 $0x43, v5;
	v41 =	vld.idx.msk [tilespmem:v1+s28+$0x0], $0xffff  }
0x17: {  	v57 =	vadd.s32 $0x43, v4;
	v44 =	vld.idx.msk [tilespmem:v2+s28+$0x0], $0xffff  }
0x18: {  	v58 =	vadd.s32 $0x44, v5;
	v33 =	vld.idx.msk [tilespmem:v3+s28+$0x0], $0xffff  }
0x19: {  	v59 =	vadd.s32 $0x44, v4;
	v40 =	vld.idx.msk [tilespmem:v6+s28+$0x0], $0xffff  }
0x1a: {  	v60 =	vadd.s32 $0x45, v5;
	v30 =	vld.idx.msk [tilespmem:v55+s28+$0x0], $0xffff  }
0x1b: {  	v61 =	vadd.s32 $0x45, v4;
	v55 =	vld.idx.msk [tilespmem:v56+s28+$0x0], $0xffff  }
0x1c: {  	v62 =	vadd.s32 $0x46, v5;
	v45 =	vld.idx.msk [tilespmem:v57+s28+$0x0], $0xffff  }
0x1d: {  	v7 =	vadd.s32 $0x46, v4;
	v15 =	vld.idx.msk [tilespmem:v58+s28+$0x0], $0xffff  }
0x1e: {  	v10 =	vadd.s32 $0x47, v5;
	v12 =	vld.idx.msk [tilespmem:v59+s28+$0x0], $0xffff  }
0x1f: {  	v11 =	vadd.s32 $0x47, v4;
	v14 =	vld.idx.msk [tilespmem:v60+s28+$0x0], $0xffff  }
0x20: {  	v13 =	vadd.s32 $0x48, v5;
	v8 =	vld.idx.msk [tilespmem:v61+s28+$0x0], $0xffff  }
0x21: {  	v63 =	vadd.s32 $0x48, v4;
	v17 =	vld.idx.msk [tilespmem:v62+s28+$0x0], $0xffff  }
0x22: {  	v16 =	vadd.s32 $0x49, v4;
	v9 =	vld.idx.msk [tilespmem:v7+s28+$0x0], $0xffff  }
0x23: {  	v18 =	vadd.s32 $0x4A, v5;
	v35 =	vld.idx.msk [tilespmem:v10+s28+$0x0], $0xffff  }
0x24: {  	v19 =	vadd.s32 $0x4A, v4;
	v26 =	vld.idx.msk [tilespmem:v11+s28+$0x0], $0xffff  }
0x25: {  	v20 =	vadd.s32 $0x4B, v5;
	v27 =	vld.idx.msk [tilespmem:v13+s28+$0x0], $0xffff  }
0x26: {  	v21 =	vadd.s32 $0x4B, v4;
	v13 =	vld.idx.msk [tilespmem:v63+s28+$0x0], $0xffff  }
0x27: {  	v31 =	vadd.s32 $0x4C, v5;
	v11 =	vld.idx.msk [tilespmem:v16+s28+$0x0], $0xffff  }
0x28: {  	v22 =	vadd.s32 $0x4C, v4;
	v10 =	vld.idx.msk [tilespmem:v18+s28+$0x0], $0xffff  }
0x29: {  	v32 =	vadd.s32 $0x4D, v5;
	v7 =	vld.idx.msk [tilespmem:v19+s28+$0x0], $0xffff  }
0x2a: {  	v42 =	vadd.s32 $0x4D, v4;
	v36 =	vld.idx.msk [tilespmem:v20+s28+$0x0], $0xffff  }
0x2b: {  	v43 =	vadd.s32 $0x4E, v5;
	v18 =	vld.idx.msk [tilespmem:v21+s28+$0x0], $0xffff  }
0x2c: {  	v23 =	vadd.s32 $0x4E, v4;
	v39 =	vld.idx.msk [tilespmem:v31+s28+$0x0], $0xffff  }
0x2d: {  	v46 =	vadd.s32 $0x4F, v5;
	v16 =	vld.idx.msk [tilespmem:v22+s28+$0x0], $0xffff  }
0x2e: {  	v48 =	vadd.s32 $0x4F, v4;
	v47 =	vld.idx.msk [tilespmem:v32+s28+$0x0], $0xffff  }
0x2f: {  	v50 =	vadd.s32 $0x50, v5;
	v49 =	vld.idx.msk [tilespmem:v42+s28+$0x0], $0xffff  }
0x30: {  	v28 =	vadd.s32 $0x53, v5;
	v59 =	vld.idx.msk [tilespmem:v43+s28+$0x0], $0xffff  }
0x31: {  	v52 =	vadd.s32 $0x54, v4;
	v53 =	vld.idx.msk [tilespmem:v23+s28+$0x0], $0xffff  }
0x32: {  	v3 =	vadd.s32 $0x49, v5;
	v57 =	vld.idx.msk [tilespmem:v46+s28+$0x0], $0xffff  }
0x33: {  	v60 =	vadd.s32 $0x50, v4;
	v46 =	vld.idx.msk [tilespmem:v48+s28+$0x0], $0xffff  }
0x34: {  	v61 =	vadd.s32 $0x51, v5;
	v42 =	vld.idx.msk [tilespmem:v50+s28+$0x0], $0xffff  }
0x35: {  	v62 =	vadd.s32 $0x51, v4;
	v56 =	vld.idx.msk [tilespmem:v28+s28+$0x0], $0xffff  }
0x36: {  	v63 =	vadd.s32 $0x52, v5;
	v22 =	vld.idx.msk [tilespmem:v52+s28+$0x0], $0xffff  }
0x37: {  	v6 =	vadd.s32 $0x52, v4;
	v34 =	vld.idx.msk [tilespmem:v3+s28+$0x0], $0xffff  }
0x38: {  	v37 =	vadd.s32 $0x53, v4;
	v21 =	vld.idx.msk [tilespmem:v60+s28+$0x0], $0xffff  }
0x39: {  	v43 =	vadd.s32 $0x54, v5;
	v32 =	vld.idx.msk [tilespmem:v61+s28+$0x0], $0xffff  }
0x3a: {  	v0 =	vadd.s32 $0x61, v5;
	v38 =	vld.idx.msk [tilespmem:v62+s28+$0x0], $0xffff  }
0x3b: {  	v2 =	vadd.s32 $0x62, v5;
	v51 =	vld.idx.msk [tilespmem:v63+s28+$0x0], $0xffff  }
0x3c: {  	[tilespmem:$0x1FA10] =	vst v49;
	v49 =	vld.idx.msk [tilespmem:v6+s28+$0x0], $0xffff;
	v60 =	vadd.s32 $0x55, v5  }
0x3d: {  	v29 =	vadd.s32 $0x55, v4;
	[tilespmem:$0x1FA00] =	vst v47;
	v47 =	vld.idx.msk [tilespmem:v37+s28+$0x0], $0xffff  }
0x3e: {  	v61 =	vadd.s32 $0x56, v5;
	v28 =	vld.idx.msk [tilespmem:v43+s28+$0x0], $0xffff  }
0x3f: {  	v31 =	vadd.s32 $0x56, v4;
	v0 =	vld.idx.msk [tilespmem:v0+s28+$0x0], $0xffff  }
0x40: {  	v62 =	vadd.s32 $0x57, v5;
	v2 =	vld.idx.msk [tilespmem:v2+s28+$0x0], $0xffff  }
0x41: {  	v6 =	vadd.s32 $0x57, v4;
	v63 =	vld.idx.msk [tilespmem:v60+s28+$0x0], $0xffff  }
0x42: {  	v37 =	vadd.s32 $0x58, v5;
	[tilespmem:$0x1FA30] =	vst v32;
	v32 =	vld.idx.msk [tilespmem:v29+s28+$0x0], $0xffff  }
0x43: {  	v43 =	vadd.s32 $0x58, v4;
	[tilespmem:$0x1FA40] =	vst v38;
	v38 =	vld.idx.msk [tilespmem:v61+s28+$0x0], $0xffff  }
0x44: {  	v50 =	vadd.s32 $0x5C, v5;
	[tilespmem:$0x1FA50] =	vst v51;
	v51 =	vld.idx.msk [tilespmem:v31+s28+$0x0], $0xffff  }
0x45: {  	v60 =	vadd.s32 $0x59, v5;
	v58 =	vld.idx.msk [tilespmem:v62+s28+$0x0], $0xffff  }
0x46: {  	v61 =	vadd.s32 $0x59, v4;
	v48 =	vld.idx.msk [tilespmem:v6+s28+$0x0], $0xffff  }
0x47: {  	v62 =	vadd.s32 $0x5A, v5;
	v29 =	vld.idx.msk [tilespmem:v37+s28+$0x0], $0xffff  }
0x48: {  	v23 =	vld.idx.msk [tilespmem:v43+s28+$0x0], $0xffff;
	v37 =	vadd.s32 $0x5B, v5  }
0x49: {  	v6 =	vadd.s32 $0x5B, v4;
	v31 =	vld.idx.msk [tilespmem:v50+s28+$0x0], $0xffff;
	[tilespmem:$0x1FAD0] =	vst v0  }
0x4a: {  	v0 =	vadd.s32 $0x63, v4;
	[tilespmem:$0x1FA60] =	vst v63;
	v63 =	vld.idx.msk [tilespmem:v60+s28+$0x0], $0xffff  }
0x4b: {  	[tilespmem:$0x1FAE0] =	vst v2;
	v2 =	vadd.s32 $0x64, v4;
	v43 =	vld.idx.msk [tilespmem:v61+s28+$0x0], $0xffff  }
0x4c: {  	[tilespmem:$0x1FA20] =	vst v59;
	v60 =	vld.idx.msk [tilespmem:v62+s28+$0x0], $0xffff;
	v62 =	vadd.s32 $0x5D, v5  }
0x4d: {  	[tilespmem:$0x1FA80] =	vst v38;
	v59 =	vld.idx.msk [tilespmem:v37+s28+$0x0], $0xffff;
	v38 =	vadd.s32 $0x5D, v4  }
0x4e: {  	[tilespmem:$0x1FA70] =	vst v32;
	v32 =	vadd.s32 $0x5A, v4;
	v37 =	vld.idx.msk [tilespmem:v6+s28+$0x0], $0xffff  }
0x4f: {  	v61 =	vadd.s32 $0x5C, v4;
	v0 =	vld.idx.msk [tilespmem:v0+s28+$0x0], $0xffff  }
0x50: {  	v2 =	vld.idx.msk [tilespmem:v2+s28+$0x0], $0xffff;
	[tilespmem:$0x1FAA0] =	vst v43;
	v43 =	vadd.s32 $0x5E, v5  }
0x51: {  	v50 =	vadd.s32 $0x5E, v4;
	[tilespmem:$0x1FA90] =	vst v63;
	v63 =	vld.idx.msk [tilespmem:v62+s28+$0x0], $0xffff  }
0x52: {  	v6 =	vadd.s32 $0x5F, v4;
	v38 =	vld.idx.msk [tilespmem:v38+s28+$0x0], $0xffff  }
0x53: {  	v20 =	vadd.s32 $0x5F, v5;
	v52 =	vld.idx.msk [tilespmem:v32+s28+$0x0], $0xffff  }
0x54: {  	v19 =	vld.idx.msk [tilespmem:v61+s28+$0x0], $0xffff;
	v62 =	vadd.s32 $0x60, v5  }
0x55: {  	v1 =	vadd.s32 $0x61, v4;
	v61 =	vld.idx.msk [tilespmem:v43+s28+$0x0], $0xffff  }
0x56: {  	[tilespmem:$0x1FAB0] =	vst v63;
	v63 =	vadd.s32 $0x60, v4;
	v43 =	vld.idx.msk [tilespmem:v50+s28+$0x0], $0xffff  }
0x57: {  	[tilespmem:$0x1FAC0] =	vst v38;
	v38 =	vld.idx.msk [tilespmem:v6+s28+$0x0], $0xffff;
	v6 =	vadd.s32 $0x63, v5  }
0x58: {  	v3 =	vadd.s32 $0x62, v4;
	v50 =	vld.idx.msk [tilespmem:v20+s28+$0x0], $0xffff  }
0x59: {  	[tilespmem:$0x1FB00] =	vst v0;
	v0 =	vadd.s32 $0x66, v5;
	v32 =	vld.idx.msk [tilespmem:v62+s28+$0x0], $0xffff  }
0x5a: {  	v62 =	vld.idx.msk [tilespmem:v1+s28+$0x0], $0xffff;
	v1 =	vadd.s32 $0x64, v5  }
0x5b: {  	[tilespmem:$0x1FB20] =	vst v2;
	v2 =	vadd.s32 $0x67, v5;
	v20 =	vld.idx.msk [tilespmem:v63+s28+$0x0], $0xffff  }
0x5c: {  	v6 =	vld.idx.msk [tilespmem:v6+s28+$0x0], $0xffff  }
0x5d: {  	v63 =	vld.idx.msk [tilespmem:v3+s28+$0x0], $0xffff;
	v3 =	vadd.s32 $0x65, v5  }
0x5e: {  	v0 =	vld.idx.msk [tilespmem:v0+s28+$0x0], $0xffff  }
0x5f: {  	v1 =	vld.idx.msk [tilespmem:v1+s28+$0x0], $0xffff  }
0x60: {  	v2 =	vld.idx.msk [tilespmem:v2+s28+$0x0], $0xffff  }
0x61: {  	[tilespmem:$0x1FAF0] =	vst v6;
	v6 =	vadd.s32 $0x65, v4  }
0x62: {  	v3 =	vld.idx.msk [tilespmem:v3+s28+$0x0], $0xffff  }
0x63: {  	[tilespmem:$0x1FB50] =	vst v0;
	v0 =	vadd.s32 $0x68, v4  }
0x64: {  	[tilespmem:$0x1FB10] =	vst v1;
	v1 =	vadd.s32 $0x66, v4  }
0x65: {  	[tilespmem:$0x1FB70] =	vst v2;
	v2 =	vadd.s32 $0x69, v4  }
0x66: {  	v6 =	vld.idx.msk [tilespmem:v6+s28+$0x0], $0xffff  }
0x67: {  	[tilespmem:$0x1FB30] =	vst v3;
	v3 =	vadd.s32 $0x67, v4  }
0x68: {  	v0 =	vld.idx.msk [tilespmem:v0+s28+$0x0], $0xffff  }
0x69: {  	v1 =	vld.idx.msk [tilespmem:v1+s28+$0x0], $0xffff  }
0x6a: {  	v2 =	vld.idx.msk [tilespmem:v2+s28+$0x0], $0xffff  }
0x6b: {  	[tilespmem:$0x1FB40] =	vst v6;
	v6 =	vadd.s32 $0x68, v5  }
0x6c: {  	v3 =	vld.idx.msk [tilespmem:v3+s28+$0x0], $0xffff  }
0x6d: {  	[tilespmem:$0x1FBA0] =	vst v0;
	v0 =	vadd.s32 $0x6B, v5  }
0x6e: {  	[tilespmem:$0x1FB60] =	vst v1;
	v1 =	vadd.s32 $0x69, v5  }
0x6f: {  	[tilespmem:$0x1FBC0] =	vst v2;
	v2 =	vadd.s32 $0x6C, v5  }
0x70: {  	v6 =	vld.idx.msk [tilespmem:v6+s28+$0x0], $0xffff  }
0x71: {  	[tilespmem:$0x1FB80] =	vst v3;
	v3 =	vadd.s32 $0x6A, v5  }
0x72: {  	v0 =	vld.idx.msk [tilespmem:v0+s28+$0x0], $0xffff  }
0x73: {  	v1 =	vld.idx.msk [tilespmem:v1+s28+$0x0], $0xffff  }
0x74: {  	v2 =	vld.idx.msk [tilespmem:v2+s28+$0x0], $0xffff  }
0x75: {  	[tilespmem:$0x1FB90] =	vst v6;
	v6 =	vadd.s32 $0x6A, v4  }
0x76: {  	v3 =	vld.idx.msk [tilespmem:v3+s28+$0x0], $0xffff  }
0x77: {  	[tilespmem:$0x1FBF0] =	vst v0;
	v0 =	vadd.s32 $0x6D, v4  }
0x78: {  	[tilespmem:$0x1FBB0] =	vst v1;
	v1 =	vadd.s32 $0x6B, v4  }
0x79: {  	[tilespmem:$0x1FC10] =	vst v2;
	v2 =	vadd.s32 $0x6E, v4  }
0x7a: {  	v6 =	vld.idx.msk [tilespmem:v6+s28+$0x0], $0xffff  }
0x7b: {  	[tilespmem:$0x1FBD0] =	vst v3;
	v3 =	vadd.s32 $0x6C, v4  }
0x7c: {  	v0 =	vld.idx.msk [tilespmem:v0+s28+$0x0], $0xffff  }
0x7d: {  	v1 =	vld.idx.msk [tilespmem:v1+s28+$0x0], $0xffff  }
0x7e: {  	v2 =	vld.idx.msk [tilespmem:v2+s28+$0x0], $0xffff  }
0x7f: {  	[tilespmem:$0x1FBE0] =	vst v6;
	v6 =	vadd.s32 $0x6D, v5  }
0x80: {  	v3 =	vld.idx.msk [tilespmem:v3+s28+$0x0], $0xffff  }
0x81: {  	[tilespmem:$0x1FC40] =	vst v0;
	v0 =	vadd.s32 $0x70, v5  }
0x82: {  	[tilespmem:$0x1FC00] =	vst v1;
	v1 =	vadd.s32 $0x6E, v5  }
0x83: {  	[tilespmem:$0x1FC60] =	vst v2;
	v2 =	vadd.s32 $0x71, v5  }
0x84: {  	v6 =	vld.idx.msk [tilespmem:v6+s28+$0x0], $0xffff  }
0x85: {  	[tilespmem:$0x1FC20] =	vst v3;
	v3 =	vadd.s32 $0x6F, v5  }
0x86: {  	v0 =	vld.idx.msk [tilespmem:v0+s28+$0x0], $0xffff  }
0x87: {  	v1 =	vld.idx.msk [tilespmem:v1+s28+$0x0], $0xffff  }
0x88: {  	v2 =	vld.idx.msk [tilespmem:v2+s28+$0x0], $0xffff  }
0x89: {  	[tilespmem:$0x1FC30] =	vst v6;
	v6 =	vadd.s32 $0x6F, v4  }
0x8a: {  	v3 =	vld.idx.msk [tilespmem:v3+s28+$0x0], $0xffff  }
0x8b: {  	[tilespmem:$0x1FC90] =	vst v0;
	v0 =	vadd.s32 $0x72, v4  }
0x8c: {  	[tilespmem:$0x1FC50] =	vst v1;
	v1 =	vadd.s32 $0x70, v4  }
0x8d: {  	[tilespmem:$0x1FCB0] =	vst v2;
	v2 =	vadd.s32 $0x73, v4  }
0x8e: {  	v6 =	vld.idx.msk [tilespmem:v6+s28+$0x0], $0xffff  }
0x8f: {  	[tilespmem:$0x1FC70] =	vst v3;
	v3 =	vadd.s32 $0x71, v4  }
0x90: {  	v0 =	vld.idx.msk [tilespmem:v0+s28+$0x0], $0xffff  }
0x91: {  	v1 =	vld.idx.msk [tilespmem:v1+s28+$0x0], $0xffff  }
0x92: {  	v2 =	vld.idx.msk [tilespmem:v2+s28+$0x0], $0xffff  }
0x93: {  	[tilespmem:$0x1FC80] =	vst v6;
	v6 =	vadd.s32 $0x72, v5  }
0x94: {  	v3 =	vld.idx.msk [tilespmem:v3+s28+$0x0], $0xffff  }
0x95: {  	[tilespmem:$0x1FCE0] =	vst v0;
	v0 =	vadd.s32 $0x75, v5  }
0x96: {  	[tilespmem:$0x1FCA0] =	vst v1;
	v1 =	vadd.s32 $0x73, v5  }
0x97: {  	[tilespmem:$0x1FD00] =	vst v2;
	v2 =	vadd.s32 $0x76, v5  }
0x98: {  	v6 =	vld.idx.msk [tilespmem:v6+s28+$0x0], $0xffff  }
0x99: {  	[tilespmem:$0x1FCC0] =	vst v3;
	v3 =	vadd.s32 $0x74, v5  }
0x9a: {  	v0 =	vld.idx.msk [tilespmem:v0+s28+$0x0], $0xffff  }
0x9b: {  	v1 =	vld.idx.msk [tilespmem:v1+s28+$0x0], $0xffff  }
0x9c: {  	v2 =	vld.idx.msk [tilespmem:v2+s28+$0x0], $0xffff  }
0x9d: {  	[tilespmem:$0x1FCD0] =	vst v6;
	v6 =	vadd.s32 $0x74, v4  }
0x9e: {  	v3 =	vld.idx.msk [tilespmem:v3+s28+$0x0], $0xffff  }
0x9f: {  	[tilespmem:$0x1FD30] =	vst v0;
	v0 =	vadd.s32 $0x77, v4  }
0xa0: {  	[tilespmem:$0x1FCF0] =	vst v1;
	v1 =	vadd.s32 $0x75, v4  }
0xa1: {  	[tilespmem:$0x1FD50] =	vst v2;
	v2 =	vadd.s32 $0x78, v4  }
0xa2: {  	v6 =	vld.idx.msk [tilespmem:v6+s28+$0x0], $0xffff  }
0xa3: {  	[tilespmem:$0x1FD10] =	vst v3;
	v3 =	vadd.s32 $0x76, v4  }
0xa4: {  	v0 =	vld.idx.msk [tilespmem:v0+s28+$0x0], $0xffff  }
0xa5: {  	v1 =	vld.idx.msk [tilespmem:v1+s28+$0x0], $0xffff  }
0xa6: {  	v2 =	vld.idx.msk [tilespmem:v2+s28+$0x0], $0xffff  }
0xa7: {  	v41 =	vmul.f32 v41, v54;
	v33 =	vmul.f32 v33, v44;
	[tilespmem:$0x1FD20] =	vst v6;
	v6 =	vadd.s32 $0x77, v5  }
0xa8: {  	v30 =	vmul.f32 v30, v40;
	v12 =	vmul.f32 v12, v15;
	v3 =	vld.idx.msk [tilespmem:v3+s28+$0x0], $0xffff  }
0xa9: {  	v8 =	vmul.f32 v8, v14;
	v44 =	vadd.f32 $0.0e+00, v33;
	[tilespmem:$0x1FD80] =	vst v0;
	v0 =	vadd.s32 $0x7A, v5  }
0xaa: {  	v9 =	vmul.f32 v9, v17;
	v41 =	vadd.f32 $0.0e+00, v41;
	[tilespmem:$0x1FD40] =	vst v1;
	v1 =	vadd.s32 $0x78, v5  }
0xab: {  	v54 =	vadd.f32 $0.0e+00, v30;
	v8 =	vadd.f32 v8, v44;
	v44 =	vld [tilespmem:$0x10];
	[tilespmem:$0x1FDA0] =	vst v2;
	v2 =	vadd.s32 $0x7B, v5  }
0xac: {  	v45 =	vmul.f32 v45, v55;
	v55 =	vadd.f32 v12, v41;
	v41 =	vadd.s32 $0x7D, v4;
	v6 =	vld.idx.msk [tilespmem:v6+s28+$0x0], $0xffff  }
0xad: {  	v9 =	vadd.f32 v9, v54;
	v54 =	vld [tilespmem:$0x30];
	[tilespmem:$0x1FD60] =	vst v3;
	v3 =	vadd.s32 $0x79, v5  }
0xae: {  	v0 =	vld.idx.msk [tilespmem:v0+s28+$0x0], $0xffff  }
0xaf: {  	v1 =	vld.idx.msk [tilespmem:v1+s28+$0x0], $0xffff  }
0xb0: {  	v33 =	vmul.f32 v26, v35;
	v35 =	vadd.s32 $0x7C, v4;
	v2 =	vld.idx.msk [tilespmem:v2+s28+$0x0], $0xffff  }
0xb1: {  	v18 =	vmul.f32 v18, v36;
	v36 =	vld.idx.msk [tilespmem:v41+s28+$0x0], $0xffff;
	[tilespmem:$0x1FD70] =	vst v6;
	v6 =	vadd.s32 $0x79, v4  }
0xb2: {  	[tilespmem:$0x1FFB0] =	vst v25;
	v40 =	vadd.s32 $0x7B, v4;
	v13 =	vmul.f32 v13, v27;
	v27 =	vshll.u32 v24, $0x5;
	v3 =	vld.idx.msk [tilespmem:v3+s28+$0x0], $0xffff  }
0xb3: {  	v11 =	vmul.f32 v11, v34;
	v34 =	vadd.s32 v25, v27;
	v41 =	vld [tilespmem:$0x1FA10];
	[tilespmem:$0x1FDD0] =	vst v0  }
0xb4: {  	v25 =	vmul.f32 v21, v42;
	v42 =	vmul.f32 v47, v56;
	v56 =	vld [tilespmem:$0x1FA80];
	[tilespmem:$0x1FD90] =	vst v1;
	v1 =	vadd.s32 $0x7A, v4  }
0xb5: {  	[tilespmem:$0x1FDF0] =	vst v2;
	v0 =	vadd.f32 v13, v55;
	v55 =	vadd.s32 $0x7E, v4;
	v2 =	vld.idx.msk [tilespmem:v35+s28+$0x0], $0xffff  }
0xb6: {  	v26 =	vadd.s32 $0x7F, v5;
	v6 =	vld.idx.msk [tilespmem:v6+s28+$0x0], $0xffff  }
0xb7: {  	[tilespmem:$0x1FDB0] =	vst v3;
	v3 =	vld.idx.msk [tilespmem:v40+s28+$0x0], $0xffff;
	v40 =	vadd.s32 $0x7D, v5  }
0xb8: {  	[tilespmem:$0x1FE40] =	vst v36;
	v36 =	vld [tilespmem:$0x1FA50]  }
0xb9: {  	v30 =	vadd.s32 $0x7C, v5;
	v1 =	vld.idx.msk [tilespmem:v1+s28+$0x0], $0xffff  }
0xba: {  	[tilespmem:$0x1FE20] =	vst v2;
	v12 =	vld.idx.msk [tilespmem:v55+s28+$0x0], $0xffff  }
0xbb: {  	v2 =	vld.idx.msk [tilespmem:v26+s28+$0x0], $0xffff;
	[tilespmem:$0x1FDC0] =	vst v6;
	v6 =	vadd.f32 $0.0e+00, v45;
	v45 =	vadd.s32 $0x7E, v5  }
0xbc: {  	[tilespmem:$0x1FE00] =	vst v3;
	v3 =	vld.idx.msk [tilespmem:v40+s28+$0x0], $0xffff;
	v5 =	vshll.u32 v44, $0x6  }
0xbd: {  	v7 =	vmul.f32 v7, v10;
	v40 =	vld [tilespmem:$0x1FA00];
	v10 =	vadd.s32 $0x40, v5  }
0xbe: {  	[tilespmem:$0x1FDE0] =	vst v1;
	v1 =	vld.idx.msk [tilespmem:v30+s28+$0x0], $0xffff;
	v26 =	vadd.s32 $0x41, v5  }
0xbf: {  	v6 =	vadd.f32 v33, v6;
	v33 =	vadd.s32 $0x7F, v4;
	v4 =	vadd.s32 $0x1060, v34;
	v34 =	vld [tilespmem:$0x1FA40]  }
0xc0: {  	v30 =	vmul.f32 v16, v39;
	v39 =	vld.idx.msk [tilespmem:v45+s28+$0x0], $0xffff  }
0xc1: {  	v45 =	vld [tilespmem:$0x1FA20]  }
0xc2: {  	[tilespmem:$0x1FF80] =	vst v44;
	v0 =	vadd.f32 v30, v0;
	v30 =	vadd.s32 $0x42, v5;
	v44 =	vmul.f32 v41, v40;
	v40 =	vld.idx.msk [tilespmem:v10+s28+$0x0], $0xffff  }
0xc3: {  	[tilespmem:$0x1FFA0] =	vst v24;
	v24 =	vmul.f32 v46, v57;
	v35 =	vadd.f32 v18, v6;
	v6 =	vshll.u32 v54, $0x6;
	v16 =	vld.idx.msk [tilespmem:v26+s28+$0x0], $0xffff  }
0xc4: {  	v22 =	vmul.f32 v22, v28;
	v0 =	vadd.f32 v25, v0;
	v55 =	vadd.s32 $0x40, v6;
	v57 =	vld.idx.msk [tilespmem:v33+s28+$0x0], $0xffff  }
0xc5: {  	[tilespmem:$0x1FE10] =	vst v1;
	v27 =	vadd.s32 $0x41, v6;
	v1 =	vld.idx.msk [tilespmem:v4+s28+$0x0], $0xffff  }
0xc6: {  	v11 =	vadd.f32 v11, v8;
	v23 =	vmul.f32 v23, v29;
	v47 =	vadd.f32 v22, v0;
	v33 =	vld [tilespmem:$0x1FA30]  }
0xc7: {  	v13 =	vadd.f32 v7, v9;
	v9 =	vmul.f32 v51, v56;
	v56 =	vadd.s32 $0x4B, v6;
	v4 =	vld.idx.msk [tilespmem:v30+s28+$0x0], $0xffff  }
0xc8: {  	v21 =	vadd.f32 v23, v47;
	v47 =	vmul.f32 v52, v60;
	v60 =	vld [tilespmem:$0x1FAB0]  }
0xc9: {  	v10 =	vadd.s32 $0x44, v6;
	v11 =	vadd.f32 v44, v11;
	v44 =	vld.idx.msk [tilespmem:v55+s28+$0x0], $0xffff  }
0xca: {  	v22 =	vadd.s32 $0x4D, v6;
	[tilespmem:$0x1FE50] =	vst v39;
	v39 =	vmul.f32 v49, v36;
	v49 =	vld.idx.msk [tilespmem:v27+s28+$0x0], $0xffff  }
0xcb: {  	v55 =	vld [tilespmem:$0x1FA70]  }
0xcc: {  	v41 =	vadd.s32 $0x42, v6;
	v27 =	vld.idx.msk [tilespmem:v56+s28+$0x0], $0xffff  }
0xcd: {  	v46 =	vadd.s32 $0x43, v6;
	v56 =	vld [tilespmem:$0x1FBB0]  }
0xce: {  	[tilespmem:$0x1FF90] =	vst v54;
	v54 =	vmul.f32 v53, v45;
	v52 =	vld.idx.msk [tilespmem:v10+s28+$0x0], $0xffff  }
0xcf: {  	v20 =	vmul.f32 v20, v32;
	v45 =	vadd.s32 $0x43, v5;
	v32 =	vld.idx.msk [tilespmem:v22+s28+$0x0], $0xffff  }
0xd0: {  	v13 =	vadd.f32 v54, v13;
	v54 =	vld [tilespmem:$0x1FA60]  }
0xd1: {  	v14 =	vadd.f32 v24, v35;
	v35 =	vmul.f32 v34, v33;
	v34 =	vld.idx.msk [tilespmem:v41+s28+$0x0], $0xffff  }
0xd2: {  	v53 =	vadd.s32 $0x44, v5;
	[tilespmem:$0x1FE70] =	vst v40;
	v41 =	vld.idx.msk [tilespmem:v46+s28+$0x0], $0xffff  }
0xd3: {  	v40 =	vadd.s32 $0x45, v6;
	[tilespmem:$0x1FEA0] =	vst v4;
	v4 =	vld [tilespmem:$0x1FAC0]  }
0xd4: {  	v14 =	vadd.f32 v42, v14;
	v42 =	vadd.s32 $0x46, v5;
	v13 =	vadd.f32 v39, v13;
	v39 =	vld.idx.msk [tilespmem:v45+s28+$0x0], $0xffff  }
0xd5: {  	[tilespmem:$0x1FE80] =	vst v44;
	v44 =	vld [tilespmem:$0x1FA90]  }
0xd6: {  	v33 =	vmul.f32 v48, v58;
	v45 =	vld [tilespmem:$0x1FAA0]  }
0xd7: {  	v51 =	vmul.f32 v37, v59;
	v48 =	vld.idx.msk [tilespmem:v53+s28+$0x0], $0xffff  }
0xd8: {  	v11 =	vadd.f32 v35, v11;
	v35 =	vadd.s32 $0x45, v5;
	v14 =	vadd.f32 v33, v14;
	v58 =	vld.idx.msk [tilespmem:v40+s28+$0x0], $0xffff  }
0xd9: {  	[tilespmem:$0x1FE90] =	vst v49;
	v49 =	vadd.s32 $0x46, v6;
	v13 =	vadd.f32 v9, v13;
	v9 =	vld.idx.msk [tilespmem:v42+s28+$0x0], $0xffff  }
0xda: {  	v53 =	vadd.s32 $0x47, v5;
	v28 =	vadd.f32 v51, v14;
	v51 =	vld [tilespmem:$0x1FAE0]  }
0xdb: {  	v59 =	vadd.s32 $0x48, v5;
	v7 =	vmul.f32 v4, v60;
	v60 =	vld [tilespmem:$0x1FB00]  }
0xdc: {  	v19 =	vmul.f32 v19, v31;
	v4 =	vld [tilespmem:$0x1FB10]  }
0xdd: {  	v0 =	vmul.f32 v55, v54;
	v54 =	vld.idx.msk [tilespmem:v35+s28+$0x0], $0xffff  }
0xde: {  	v19 =	vadd.f32 v19, v21;
	v21 =	vld.idx.msk [tilespmem:v49+s28+$0x0], $0xffff  }
0xdf: {  	v55 =	vadd.s32 $0x47, v6;
	v17 =	vld.idx.msk [tilespmem:v53+s28+$0x0], $0xffff  }
0xe0: {  	v36 =	vadd.f32 v0, v11;
	v11 =	vmul.f32 v38, v50;
	[tilespmem:$0x1FEE0] =	vst v48;
	v48 =	vld.idx.msk [tilespmem:v59+s28+$0x0], $0xffff  }
0xe1: {  	v8 =	vmul.f32 v43, v61;
	v10 =	vadd.s32 $0x48, v6;
	v59 =	vld [tilespmem:$0x1FAF0]  }
0xe2: {  	v25 =	vadd.f32 v47, v13;
	v49 =	vand.u32 $0x7FFFFF, v1;
	v28 =	vadd.f32 v11, v28;
	v11 =	vld [tilespmem:$0x1FB30]  }
0xe3: {  	[tilespmem:$0x1FEB0] =	vst v34;
	v13 =	vadd.s32 $0x49, v5;
	v46 =	vmul.f32 v45, v44;
	v34 =	vor.u32 $0x3F800000, v49;
	v49 =	vld [tilespmem:$0x1FB80]  }
0xe4: {  	[tilespmem:$0x1FEF0] =	vst v52;
	v25 =	vadd.f32 v8, v25;
	v52 =	vmul.f32 v63, v51;
	v44 =	vld.idx.msk [tilespmem:v55+s28+$0x0], $0xffff  }
0xe5: {  	v23 =	vadd.f32 v46, v36;
	v46 =	vld [tilespmem:$0x1FAD0]  }
0xe6: {  	v45 =	vadd.s32 $0x4A, v5;
	v33 =	vadd.f32 v52, v25;
	v52 =	vld [tilespmem:$0x1FB90]  }
0xe7: {  	v15 =	vadd.f32 v7, v23;
	v23 =	vld.idx.msk [tilespmem:v10+s28+$0x0], $0xffff  }
0xe8: {  	v53 =	vadd.s32 $0x4B, v5;
	[tilespmem:$0x1FF00] =	vst v54;
	v54 =	vld.idx.msk [tilespmem:v13+s28+$0x0], $0xffff  }
0xe9: {  	v7 =	vld [tilespmem:$0x1FB20]  }
0xea: {  	v13 =	vld [tilespmem:$0x1FB40]  }
0xeb: {  	v26 =	vld.idx.msk [tilespmem:v45+s28+$0x0], $0xffff  }
0xec: {  	v63 =	vadd.s32 $0x4C, v5;
	[tilespmem:$0x1FF20] =	vst v17;
	v17 =	vld [tilespmem:$0x1FB50]  }
0xed: {  	v19 =	vadd.f32 v20, v19;
	[tilespmem:$0x1FF10] =	vst v9;
	v9 =	vadd.s32 $0x4C, v6;
	v20 =	vld.idx.msk [tilespmem:v53+s28+$0x0], $0xffff  }
0xee: {  	[tilespmem:$0x1FF40] =	vst v48;
	v48 =	vld [tilespmem:$0x1FB70]  }
0xef: {  	v53 =	vld [tilespmem:$0x1FBA0]  }
0xf0: {  	v51 =	vadd.s32 $0x4E, v5;
	v61 =	vmul.f32 v60, v59;
	v59 =	vld [tilespmem:$0x1FBC0]  }
0xf1: {  	v18 =	vadd.s32 $0x49, v6;
	v29 =	vld.idx.msk [tilespmem:v63+s28+$0x0], $0xffff  }
0xf2: {  	v50 =	vadd.s32 $0x4A, v6;
	v30 =	vld.idx.msk [tilespmem:v9+s28+$0x0], $0xffff  }
0xf3: {  	v63 =	vld [tilespmem:$0x1FBD0]  }
0xf4: {  	v25 =	vadd.s32 $0x51, v5;
	v9 =	vld [tilespmem:$0x1FBF0]  }
0xf5: {  	v35 =	vld.idx.msk [tilespmem:v51+s28+$0x0], $0xffff  }
0xf6: {  	v47 =	vmul.f32 v62, v46;
	v62 =	vld.idx.msk [tilespmem:v18+s28+$0x0], $0xffff  }
0xf7: {  	v10 =	vadd.f32 v61, v28;
	v28 =	vld.idx.msk [tilespmem:v50+s28+$0x0], $0xffff  }
0xf8: {  	v55 =	vadd.f32 $1.000000000e+00, v34;
	v18 =	vld [tilespmem:$0x1FB60]  }
0xf9: {  	v40 =	vld.idx.msk [tilespmem:v25+s28+$0x0], $0xffff  }
0xfa: {  	(erf) = vrcp.f32 v55;
	v55 =	vadd.s32 $0x4E, v6;
	v8 =	vmul.f32 v7, v4;
	v4 =	vld [tilespmem:$0x1FBE0]  }
0xfb: {  	v31 =	vadd.f32 v47, v15;
	v15 =	vadd.s32 $0x4D, v5;
	[tilespmem:$0x1FF70] =	vst v20;
	v20 =	vld [tilespmem:$0x1FC20]  }
0xfc: {  	v50 =	vmul.f32 v49, v48;
	v60 =	vmul.f32 v59, v56;
	v56 =	vld [tilespmem:$0x1FC30]  }
0xfd: {  	[tilespmem:$0x1FF50] =	vst v54;
	v54 =	vmul.f32 v53, v52;
	v59 =	vld [tilespmem:$0x1FC40];
	v37 =	vadd.f32 v8, v19  }
0xfe: {  	[tilespmem:$0x1FEC0] =	vst v39;
	v14 =	vmul.f32 v13, v11;
	v13 =	vadd.s32 $0x50, v5;
	v39 =	vadd.f32 v50, v10;
	v10 =	vld [tilespmem:$0x1FC00]  }
0xff: {  	[tilespmem:$0x1FF60] =	vst v62;
	v19 =	vmul.f32 v18, v17;
	v62 =	vadd.f32 v54, v37;
	v37 =	vld.idx.msk [tilespmem:v55+s28+$0x0], $0xffff  }
0x100: {  	v61 =	vadd.s32 $0x4F, v5;
	v47 =	vadd.f32 v14, v31;
	v31 =	vld.idx.msk [tilespmem:v15+s28+$0x0], $0xffff  }
0x101: {  	v8 =	vadd.s32 $0x4F, v6;
	v33 =	vadd.f32 v19, v33;
	v19 =	vld [tilespmem:$0x1FC10]  }
0x102: {  	v7 =	vmul.f32 v4, v63;
	v63 =	vld [tilespmem:$0x1FC60]  }
0x103: {  	v38 =	vld.idx.msk [tilespmem:v13+s28+$0x0], $0xffff  }
0x104: {  	v17 =	vadd.s32 $0x50, v6;
	v13 =	vld [tilespmem:$0x1FC90]  }
0x105: {  	v14 =	vadd.f32 v7, v33;
	v33 =	vld.idx.msk [tilespmem:v61+s28+$0x0], $0xffff  }
0x106: {  	v36 =	vld.idx.msk [tilespmem:v8+s28+$0x0], $0xffff  }
0x107: {  	v15 =	vadd.f32 $-1.000000000e+00, v34;
	v34 =	vadd.s32 $0x53, v5;
	v11 =	vmul.f32 v10, v9;
	v9 =	vld [tilespmem:$0x1FC70]  }
0x108: {  	v10 =	vld [tilespmem:$0x1FC80]  }
0x109: {  	v61 =	vadd.s32 $0x51, v6;
	v18 =	vadd.f32 v11, v39;
	v39 =	vld.idx.msk [tilespmem:v17+s28+$0x0], $0xffff  }
0x10a: {  	v8 =	vadd.s32 $0x52, v6;
	v22 =	vmul.f32 v20, v19;
	v19 =	vld [tilespmem:$0x1FCB0]  }
0x10b: {  	v20 =	vld [tilespmem:$0x1FCC0]  }
0x10c: {  	[tilespmem:$0x1FED0] =	vst v41;
	v41 =	vadd.f32 v60, v47;
	v60 =	vmul.f32 v59, v56;
	v42 =	vld.idx.msk [tilespmem:v34+s28+$0x0], $0xffff  }
0x10d: {  	v43 =	vadd.f32 v22, v62;
	v62 =	vld [tilespmem:$0x1FC50]  }
0x10e: {  	v47 =	vadd.f32 v60, v41;
	v31 =	vmul.f32 v32, v31;
	v32 =	vadd.s32 $0x6A, v5;
	v41 =	vld.idx.msk [tilespmem:v61+s28+$0x0], $0xffff  }
0x10f: {  	v45 =	vld.idx.msk [tilespmem:v8+s28+$0x0], $0xffff  }
0x110: {  	v11 =	vmul.f32 v10, v9;
	v9 =	vld [tilespmem:$0x1FCF0]  }
0x111: {  	v25 =	vadd.s32 $0x54, v6;
	v10 =	vld [tilespmem:$0x1FD00]  }
0x112: {  	v8 =	vadd.s32 $0x55, v5;
	v22 =	vmul.f32 v20, v19;
	v20 =	vld [tilespmem:$0x1FD30]  }
0x113: {  	v32 =	vld.idx.msk [tilespmem:v32+s28+$0x0], $0xffff  }
0x114: {  	v4 =	vmul.f32 v63, v62;
	v63 =	vld [tilespmem:$0x1FCD0]  }
0x115: {  	v24 =	vpop (erf);
	v54 =	vadd.f32 v22, v47;
	v22 =	vld [tilespmem:$0x1FD40]  }
0x116: {  	v55 =	vmul.f32 v24, v15;
	v47 =	vld.idx.msk [tilespmem:v25+s28+$0x0], $0xffff  }
0x117: {  	v25 =	vadd.s32 $0x57, v5;
	v49 =	vld.idx.msk [tilespmem:v8+s28+$0x0], $0xffff  }
0x118: {  	v52 =	vmul.f32 v55, v55;
	v46 =	vadd.f32 v4, v14;
	v14 =	vld [tilespmem:$0x1FCA0]  }
0x119: {  	v51 =	vadd.s32 $0x53, v6;
	v7 =	vadd.s32 $0x52, v5;
	v8 =	vld [tilespmem:$0x1FD90]  }
0x11a: {  	v17 =	vmul.f32 $1.111111120e-01, v52;
	v18 =	vadd.f32 v11, v18;
	v11 =	vmul.f32 v10, v9;
	v10 =	vld [tilespmem:$0x1FDA0]  }
0x11b: {  	v4 =	vld [tilespmem:$0x1FCE0]  }
0x11c: {  	[tilespmem:$0x1FF30] =	vst v44;
	v44 =	vadd.f32 $1.428571490e-01, v17;
	v48 =	vld.idx.msk [tilespmem:v25+s28+$0x0], $0xffff  }
0x11d: {  	v15 =	vmul.f32 v14, v13;
	v14 =	vld [tilespmem:$0x1FD10]  }
0x11e: {  	v13 =	vmul.f32 v44, v52;
	v44 =	vld.idx.msk [tilespmem:v51+s28+$0x0], $0xffff  }
0x11f: {  	v24 =	vadd.s32 $0x54, v5;
	v50 =	vadd.f32 v15, v43;
	v43 =	vld.idx.msk [tilespmem:v7+s28+$0x0], $0xffff  }
0x120: {  	v15 =	vld [tilespmem:$0x1FD20]  }
0x121: {  	v51 =	vadd.s32 $0x56, v5;
	v7 =	vmul.f32 v4, v63;
	v63 =	vld [tilespmem:$0x1FD50]  }
0x122: {  	v19 =	vadd.s32 $0x56, v6;
	v4 =	vld [tilespmem:$0x1FD60]  }
0x123: {  	v53 =	vadd.f32 v11, v18;
	v18 =	vadd.f32 $2.000000030e-01, v13;
	v13 =	vld [tilespmem:$0x1FD70]  }
0x124: {  	v61 =	vadd.f32 v7, v46;
	v46 =	vld.idx.msk [tilespmem:v24+s28+$0x0], $0xffff  }
0x125: {  	v56 =	vadd.s32 $0x57, v6;
	v24 =	vmul.f32 v22, v20;
	v22 =	vld [tilespmem:$0x1FDB0]  }
0x126: {  	v59 =	vmul.f32 v18, v52;
	v51 =	vld.idx.msk [tilespmem:v51+s28+$0x0], $0xffff  }
0x127: {  	v34 =	vadd.s32 $0x55, v6;
	v9 =	vadd.f32 v24, v54;
	v54 =	vld.idx.msk [tilespmem:v19+s28+$0x0], $0xffff  }
0x128: {  	v20 =	vadd.s32 $0x59, v6;
	v59 =	vadd.f32 $3.333333430e-01, v59;
	v24 =	vld [tilespmem:$0x1FDC0]  }
0x129: {  	v17 =	vmul.f32 v15, v14;
	v14 =	vld [tilespmem:$0x1FD80]  }
0x12a: {  	[tilespmem:$0x1FE60] =	vst v2;
	v18 =	vmul.f32 v59, v52;
	v52 =	vld.idx.msk [tilespmem:v56+s28+$0x0], $0xffff  }
0x12b: {  	v56 =	vld [tilespmem:$0x1FE60]  }
0x12c: {  	[tilespmem:$0x1FE30] =	vst v3;
	v3 =	vadd.s32 $0x59, v5;
	v60 =	vadd.f32 v17, v50;
	v50 =	vld.idx.msk [tilespmem:v34+s28+$0x0], $0xffff  }
0x12d: {  	v59 =	vld.idx.msk [tilespmem:v20+s28+$0x0], $0xffff  }
0x12e: {  	v11 =	vmul.f32 v10, v8;
	v19 =	vshrl.u32 v1, $0x17;
	v7 =	vmul.f32 v4, v63;
	v20 =	vld [tilespmem:$0x1FDF0]  }
0x12f: {  	v63 =	vadd.s32 $0x58, v6;
	v17 =	vadd.s32 $0x58, v5;
	v25 =	vmul.f32 v24, v22;
	v22 =	vld [tilespmem:$0x1FE00]  }
0x130: {  	v61 =	vadd.f32 v7, v61;
	v7 =	vadd.s32 $0x5A, v5;
	v24 =	vld [tilespmem:$0x1FE10];
	v15 =	vmul.f32 v14, v13  }
0x131: {  	v8 =	vadd.f32 v11, v60;
	v14 =	vand.u32 $0xFF, v19;
	v11 =	vadd.f32 v25, v9;
	v25 =	vld.idx.msk [tilespmem:v3+s28+$0x0], $0xffff  }
0x132: {  	v34 =	vadd.s32 $0x5A, v6;
	v0 =	vadd.s32 $0xFFFFFF81, v14;
	v14 =	vld [tilespmem:$0x1FDD0];
	v13 =	vadd.f32 v15, v53  }
0x133: {  	v57 =	vmul.f32 v57, v56;
	v56 =	vld [tilespmem:$0x1FED0];
	v15 =	vadd.f32 $1.000000000e+00, v18;
	v18 =	vadd.f32 v55, v55  }
0x134: {  	v53 =	vld.idx.msk [tilespmem:v17+s28+$0x0], $0xffff  }
0x135: {  	v17 =	vcvt.s32.f32 v0;
	v19 =	vmul.f32 v15, v18;
	v15 =	vld [tilespmem:$0x1FDE0]  }
0x136: {  	v55 =	vld.idx.msk [tilespmem:v63+s28+$0x0], $0xffff  }
0x137: {  	[tilespmem:$0x1FFF0] =	vst v1;
	v60 =	vld.idx.msk [tilespmem:v7+s28+$0x0], $0xffff;
	v1 =	vmul.f32 $6.931471820e-01, v17  }
0x138: {  	v3 =	vadd.s32 $0x5B, v6;
	v0 =	vmul.f32 v22, v20;
	v20 =	vld.idx.msk [tilespmem:v34+s28+$0x0], $0xffff  }
0x139: {  	v4 =	vadd.s32 $0x5C, v5;
	v1 =	vadd.f32 v19, v1;
	v19 =	vld [tilespmem:$0x1FE50]  }
0x13a: {  	v18 =	vld [tilespmem:$0x1FE40];
	v17 =	vmul.f32 v15, v14  }
0x13b: {  	v63 =	vadd.s32 $0x5B, v5;
	v14 =	vld [tilespmem:$0x1FE20]  }
0x13c: {  	v7 =	vadd.s32 $0x5C, v6;
	v62 =	vadd.f32 v17, v61;
	v17 =	vld [tilespmem:$0x1FE30]  }
0x13d: {  	v9 =	vadd.f32 v0, v13;
	v22 =	vld.idx.msk [tilespmem:v3+s28+$0x0], $0xffff;
	v15 =	vadd.s32 $0x5D, v5  }
0x13e: {  	[tilespmem:$0x1FFE0] =	vst v1;
	v13 =	vadd.f32 $-4.605170250e+00, v1;
	v1 =	vmul.f32 v12, v19;
	v19 =	vld.idx.msk [tilespmem:v4+s28+$0x0], $0xffff;
	v4 =	vadd.s32 $0x5E, v6  }
0x13f: {  	v12 =	vld [tilespmem:$0x1FEB0]  }
0x140: {  	v2 =	vmul.f32 v14, v24;
	v24 =	vld.idx.msk [tilespmem:v63+s28+$0x0], $0xffff  }
0x141: {  	v14 =	vadd.s32 $0x5E, v5;
	v0 =	vmul.f32 v18, v17;
	v18 =	vld.idx.msk [tilespmem:v7+s28+$0x0], $0xffff  }
0x142: {  	v9 =	vadd.f32 v57, v9;
	v17 =	vld.idx.msk [tilespmem:v15+s28+$0x0], $0xffff  }
0x143: {  	v10 =	vadd.f32 v2, v8;
	v8 =	vmul.f32 $7.500000000e-01, v13;
	v7 =	vadd.f32 v1, v62;
	v13 =	vld.idx.msk [tilespmem:v4+s28+$0x0], $0xffff  }
0x144: {  	v4 =	vld [tilespmem:$0x1FE70]  }
0x145: {  	v34 =	vadd.s32 $0x5F, v6;
	v63 =	vadd.f32 v9, v7;
	v7 =	vld [tilespmem:$0x1FE80]  }
0x146: {  	v0 =	vadd.f32 v0, v11;
	v15 =	vld.idx.msk [tilespmem:v14+s28+$0x0], $0xffff  }
0x147: {  	v8 =	vmul.f32 $1.442695020e+00, v8;
	v14 =	vld [tilespmem:$0x1FEC0]  }
0x148: {  	v0 =	vadd.f32 v0, v10;
	v10 =	vld [tilespmem:$0x1FEA0]  }
0x149: {  	(erf) = vpow2.f32 v8;
	v8 =	vld [tilespmem:$0x1FE90]  }
0x14a: {  	v34 =	vld.idx.msk [tilespmem:v34+s28+$0x0], $0xffff;
	v61 =	vadd.s32 $0x5D, v6  }
0x14b: {  	v2 =	vadd.s32 $0x5F, v5;
	v11 =	vmul.f32 v7, v4;
	v4 =	vld [tilespmem:$0x1FEE0]  }
0x14c: {  	v7 =	vld [tilespmem:$0x1FEF0]  }
0x14d: {  	v9 =	vadd.s32 $0x61, v5;
	v1 =	vmul.f32 v12, v10;
	v10 =	vmul.f32 v56, v14;
	v14 =	vld [tilespmem:$0x1FF10]  }
0x14e: {  	v57 =	vmul.f32 v8, v16;
	v8 =	vadd.s32 $0x62, v5;
	v12 =	vld [tilespmem:$0x1FF00]  }
0x14f: {  	v61 =	vld.idx.msk [tilespmem:v61+s28+$0x0], $0xffff  }
0x150: {  	[tilespmem:$0x1FFD0] =	vst v63;
	v63 =	vadd.s32 $0x61, v6;
	v16 =	vld.idx.msk [tilespmem:v2+s28+$0x0], $0xffff  }
0x151: {  	v3 =	vadd.s32 $0x60, v6;
	v56 =	vld [tilespmem:$0x1FF20]  }
0x152: {  	v62 =	vadd.s32 $0x60, v5;
	v11 =	vadd.f32 $0.0e+00, v11;
	v21 =	vmul.f32 v21, v14;
	v14 =	vld.idx.msk [tilespmem:v9+s28+$0x0], $0xffff  }
0x153: {  	[tilespmem:$0x1FFC0] =	vst v0;
	v57 =	vadd.f32 $0.0e+00, v57;
	v0 =	vmul.f32 v7, v4;
	v58 =	vmul.f32 v58, v12;
	v9 =	vld.idx.msk [tilespmem:v8+s28+$0x0], $0xffff  }
0x154: {  	v8 =	vld [tilespmem:$0x1FF40]  }
0x155: {  	v4 =	vadd.s32 $0x62, v6;
	v2 =	vadd.f32 v0, v11;
	v11 =	vadd.f32 v58, v57;
	v57 =	vld.idx.msk [tilespmem:v63+s28+$0x0], $0xffff  }
0x156: {  	v63 =	vld [tilespmem:$0x1FF30]  }
0x157: {  	v62 =	vld.idx.msk [tilespmem:v62+s28+$0x0], $0xffff;
	v7 =	vadd.s32 $0x63, v6  }
0x158: {  	v1 =	vadd.f32 $0.0e+00, v1;
	v12 =	vld.idx.msk [tilespmem:v3+s28+$0x0], $0xffff;
	v3 =	vadd.s32 $0x63, v5  }
0x159: {  	v0 =	vld [tilespmem:$0x1FF50]  }
0x15a: {  	v26 =	vmul.f32 v28, v26;
	v37 =	vmul.f32 v37, v35;
	v1 =	vadd.f32 v21, v1;
	v4 =	vld.idx.msk [tilespmem:v4+s28+$0x0], $0xffff  }
0x15b: {  	v23 =	vmul.f32 v23, v8;
	v21 =	vmul.f32 v63, v56;
	v56 =	vld [tilespmem:$0x1FF60]  }
0x15c: {  	v7 =	vld.idx.msk [tilespmem:v7+s28+$0x0], $0xffff;
	v1 =	vadd.f32 v26, v1;
	v8 =	vadd.f32 $0.0e+00, v10;
	v10 =	vadd.s32 $0x65, v5  }
0x15d: {  	v3 =	vld.idx.msk [tilespmem:v3+s28+$0x0], $0xffff;
	v2 =	vadd.f32 v23, v2;
	v23 =	vadd.s32 $0x66, v6  }
0x15e: {  	v58 =	vadd.s32 $0x64, v5;
	v1 =	vadd.f32 v37, v1;
	v37 =	vmul.f32 v47, v46;
	v47 =	vld [tilespmem:$0x1FF80]  }
0x15f: {  	v46 =	vld [tilespmem:$0x1FF90];
	v63 =	vadd.s32 $0x64, v6  }
0x160: {  	v8 =	vadd.f32 v21, v8;
	v21 =	vadd.s32 $0x66, v5;
	v0 =	vmul.f32 v56, v0;
	v56 =	vld [tilespmem:$0x1FF70]  }
0x161: {  	v35 =	vadd.s32 $0x67, v6;
	v10 =	vld.idx.msk [tilespmem:v10+s28+$0x0], $0xffff  }
0x162: {  	v28 =	vadd.s32 $0x65, v6;
	v23 =	vld.idx.msk [tilespmem:v23+s28+$0x0], $0xffff  }
0x163: {  	v0 =	vadd.f32 v0, v11;
	v11 =	vld.idx.msk [tilespmem:v58+s28+$0x0], $0xffff;
	v58 =	vmul.f32 v30, v29;
	v30 =	vadd.s32 $0x67, v5  }
0x164: {  	v45 =	vmul.f32 v45, v43;
	v29 =	vld.idx.msk [tilespmem:v63+s28+$0x0], $0xffff;
	v63 =	vadd.s32 $0x69, v5  }
0x165: {  	v43 =	vadd.s32 $0x74, v5;
	v21 =	vld.idx.msk [tilespmem:v21+s28+$0x0], $0xffff;
	v2 =	vadd.f32 v58, v2;
	v26 =	vmul.f32 v27, v56  }
0x166: {  	v0 =	vadd.f32 v31, v0;
	v58 =	vmul.f32 v39, v38;
	v38 =	vadd.s32 $0x69, v6;
	v31 =	vld.idx.msk [tilespmem:v35+s28+$0x0], $0xffff  }
0x167: {  	v41 =	vmul.f32 v41, v40;
	v35 =	vadd.s32 $0x6A, v6;
	v8 =	vadd.f32 v26, v8;
	v26 =	vld.idx.msk [tilespmem:v28+s28+$0x0], $0xffff  }
0x168: {  	v25 =	vmul.f32 v59, v25;
	v20 =	vmul.f32 v20, v60;
	v39 =	vadd.s32 $0x6B, v5;
	v30 =	vld.idx.msk [tilespmem:v30+s28+$0x0], $0xffff  }
0x169: {  	v16 =	vmul.f32 v34, v16;
	v27 =	vadd.s32 $0x68, v5;
	v56 =	vmul.f32 v36, v33;
	v33 =	vld.idx.msk [tilespmem:v63+s28+$0x0], $0xffff  }
0x16a: {  	v0 =	vadd.f32 v41, v0;
	v41 =	vadd.s32 $0x6B, v6;
	v34 =	vmul.f32 v29, v11;
	v29 =	vld.idx.msk [tilespmem:v43+s28+$0x0], $0xffff  }
0x16b: {  	v22 =	vmul.f32 v22, v24;
	v2 =	vadd.f32 v58, v2;
	v28 =	vadd.s32 $0x68, v6;
	v38 =	vld.idx.msk [tilespmem:v38+s28+$0x0], $0xffff  }
0x16c: {  	v58 =	vshll.u32 v47, $0x5;
	v63 =	vmul.f32 v54, v51;
	v51 =	vadd.s32 $0x6C, v6;
	v35 =	vld.idx.msk [tilespmem:v35+s28+$0x0], $0xffff  }
0x16d: {  	v36 =	vmul.f32 v44, v42;
	v42 =	vadd.s32 v46, v58;
	v58 =	vadd.s32 $0x6D, v5;
	v39 =	vld.idx.msk [tilespmem:v39+s28+$0x0], $0xffff  }
0x16e: {  	v8 =	vadd.f32 v56, v8;
	v56 =	vmul.f32 v50, v49;
	v50 =	vadd.s32 $0x1060, v42;
	v27 =	vld.idx.msk [tilespmem:v27+s28+$0x0], $0xffff  }
0x16f: {  	v18 =	vmul.f32 v18, v19;
	v54 =	vmul.f32 v52, v48;
	v52 =	vadd.s32 $0x70, v5;
	v41 =	vld.idx.msk [tilespmem:v41+s28+$0x0], $0xffff  }
0x170: {  	v17 =	vmul.f32 v61, v17;
	v1 =	vadd.f32 v45, v1;
	v45 =	vadd.s32 $0x74, v6;
	v28 =	vld.idx.msk [tilespmem:v28+s28+$0x0], $0xffff  }
0x171: {  	v61 =	vadd.s32 $0x72, v6;
	v48 =	vadd.s32 $0x6E, v5;
	v0 =	vadd.f32 v56, v0;
	v19 =	vld.idx.msk [tilespmem:v51+s28+$0x0], $0xffff  }
0x172: {  	v13 =	vmul.f32 v13, v15;
	v12 =	vmul.f32 v12, v62;
	v1 =	vadd.f32 v63, v1;
	v15 =	vld.idx.msk [tilespmem:v58+s28+$0x0], $0xffff  }
0x173: {  	v62 =	vadd.s32 $0x73, v5;
	v60 =	vmul.f32 v57, v14;
	v25 =	vadd.f32 v25, v0;
	v0 =	vld.idx.msk [tilespmem:v50+s28+$0x0], $0xffff  }
0x174: {  	v2 =	vadd.f32 v37, v2;
	v49 =	vadd.s32 $0x6C, v5;
	v1 =	vadd.f32 v20, v1;
	v14 =	vld.idx.msk [tilespmem:v52+s28+$0x0], $0xffff  }
0x175: {  	v63 =	vadd.s32 $0x6D, v6;
	v8 =	vadd.f32 v36, v8;
	v44 =	vmul.f32 v26, v10;
	v26 =	vld.idx.msk [tilespmem:v45+s28+$0x0], $0xffff  }
0x176: {  	v56 =	vmul.f32 v55, v53;
	v53 =	vadd.s32 $0x70, v6;
	v1 =	vadd.f32 v13, v1;
	v13 =	vld.idx.msk [tilespmem:v48+s28+$0x0], $0xffff  }
0x177: {  	v51 =	vadd.s32 $0x6F, v6;
	v8 =	vadd.f32 v54, v8;
	v48 =	vmul.f32 v23, v21;
	v21 =	vld.idx.msk [tilespmem:v61+s28+$0x0], $0xffff  }
0x178: {  	v58 =	vadd.s32 $0x72, v5;
	v2 =	vadd.f32 v56, v2;
	v23 =	vld.idx.msk [tilespmem:v62+s28+$0x0], $0xffff;
	v55 =	vand.u32 $0x7FFFFF, v0  }
0x179: {  	v54 =	vadd.s32 $0x71, v5;
	v40 =	vld.idx.msk [tilespmem:v49+s28+$0x0], $0xffff;
	v8 =	vadd.f32 v22, v8;
	v37 =	vor.u32 $0x3F800000, v55  }
0x17a: {  	v56 =	vadd.s32 $0x71, v6;
	v2 =	vadd.f32 v18, v2;
	v18 =	vld.idx.msk [tilespmem:v63+s28+$0x0], $0xffff;
	v59 =	vadd.f32 $1.000000000e+00, v37  }
0x17b: {  	v4 =	vmul.f32 v4, v9;
	v49 =	vadd.s32 $0x6E, v6;
	v9 =	vld.idx.msk [tilespmem:v53+s28+$0x0], $0xffff  }
0x17c: {  	v50 =	vadd.s32 $0x6F, v5;
	v8 =	vadd.f32 v16, v8;
	v16 =	vld.idx.msk [tilespmem:v51+s28+$0x0], $0xffff;
	(erf) = vrcp.f32 v59  }
0x17d: {  	v52 =	vadd.s32 $0x76, v5;
	v10 =	vld.idx.msk [tilespmem:v58+s28+$0x0], $0xffff  }
0x17e: {  	v3 =	vmul.f32 v7, v3;
	v36 =	vadd.s32 $0x79, v5;
	v61 =	vadd.s32 $0x78, v5;
	v7 =	vld.idx.msk [tilespmem:v54+s28+$0x0], $0xffff  }
0x17f: {  	v45 =	vadd.s32 $0x7A, v6;
	v17 =	vadd.f32 v17, v25;
	v1 =	vadd.f32 v4, v1;
	v11 =	vld.idx.msk [tilespmem:v56+s28+$0x0], $0xffff  }
0x180: {  	v57 =	vmul.f32 v35, v32;
	v63 =	vadd.s32 $0x73, v6;
	v2 =	vadd.f32 v12, v2;
	v20 =	vld.idx.msk [tilespmem:v49+s28+$0x0], $0xffff  }
0x181: {  	v12 =	vadd.f32 v60, v17;
	v51 =	vadd.s32 $0x75, v6;
	v4 =	vadd.f32 v48, v1;
	v24 =	vld.idx.msk [tilespmem:v50+s28+$0x0], $0xffff  }
0x182: {  	v58 =	vadd.s32 $0x77, v6;
	v60 =	vmul.f32 v41, v39;
	v62 =	vmul.f32 v19, v40;
	v19 =	vld.idx.msk [tilespmem:v52+s28+$0x0], $0xffff  }
0x183: {  	v39 =	vadd.s32 $0x79, v6;
	v3 =	vadd.f32 v3, v8;
	v8 =	vadd.f32 v44, v12;
	v44 =	vld.idx.msk [tilespmem:v61+s28+$0x0], $0xffff  }
0x184: {  	v50 =	vmul.f32 v31, v30;
	v1 =	vpop (erf);
	v4 =	vadd.f32 v57, v4;
	v57 =	vld.idx.msk [tilespmem:v45+s28+$0x0], $0xffff;
	v56 =	vadd.f32 $-1.000000000e+00, v37  }
0x185: {  	v53 =	vmul.f32 v38, v33;
	v54 =	vadd.s32 $0x76, v6;
	v17 =	vld.idx.msk [tilespmem:v63+s28+$0x0], $0xffff;
	v59 =	vpop (erf)  }
0x186: {  	v49 =	vadd.s32 $0x75, v5;
	v3 =	vadd.f32 v50, v3;
	v50 =	vld.idx.msk [tilespmem:v36+s28+$0x0], $0xffff;
	v31 =	vmul.f32 v59, v56  }
0x187: {  	v27 =	vmul.f32 v28, v27;
	v2 =	vadd.f32 v34, v2;
	v55 =	vadd.s32 $0x77, v5;
	v25 =	vld.idx.msk [tilespmem:v51+s28+$0x0], $0xffff  }
0x188: {  	v41 =	vadd.s32 $0x7A, v5;
	v63 =	vadd.s32 $0x78, v6;
	v40 =	vld.idx.msk [tilespmem:v58+s28+$0x0], $0xffff;
	v35 =	vmul.f32 v31, v31  }
0x189: {  	v26 =	vmul.f32 v26, v29;
	v2 =	vadd.f32 v27, v2;
	v8 =	vadd.f32 v53, v8;
	v52 =	vld.idx.msk [tilespmem:v39+s28+$0x0], $0xffff  }
0x18a: {  	v37 =	vmul.f32 v18, v15;
	v53 =	vadd.s32 $0x7C, v5;
	v30 =	vld.idx.msk [tilespmem:v54+s28+$0x0], $0xffff;
	v42 =	vmul.f32 $1.111111120e-01, v35  }
0x18b: {  	v9 =	vmul.f32 v9, v14;
	v36 =	vshrl.u32 v0, $0x17;
	v51 =	vadd.s32 $0x7B, v6;
	v22 =	vld.idx.msk [tilespmem:v49+s28+$0x0], $0xffff  }
0x18c: {  	v58 =	vadd.s32 $0x7D, v5;
	v3 =	vadd.f32 v60, v3;
	v38 =	vld.idx.msk [tilespmem:v55+s28+$0x0], $0xffff;
	v32 =	vadd.f32 $1.428571490e-01, v42  }
0x18d: {  	v2 =	vadd.f32 v62, v2;
	v8 =	vadd.f32 v37, v8;
	v62 =	vadd.s32 $0x7D, v6;
	v48 =	vld.idx.msk [tilespmem:v63+s28+$0x0], $0xffff  }
0x18e: {  	v7 =	vmul.f32 v11, v7;
	v49 =	vadd.s32 $0x7B, v5;
	v55 =	vld.idx.msk [tilespmem:v41+s28+$0x0], $0xffff;
	v32 =	vmul.f32 v32, v35  }
0x18f: {  	v54 =	vmul.f32 v21, v10;
	v13 =	vmul.f32 v20, v13;
	v63 =	vadd.s32 $0x7E, v5;
	v18 =	vld.idx.msk [tilespmem:v53+s28+$0x0], $0xffff  }
0x190: {  	v43 =	vmul.f32 v16, v24;
	v5 =	vadd.s32 $0x7F, v5;
	v14 =	vld.idx.msk [tilespmem:v51+s28+$0x0], $0xffff;
	v59 =	vadd.f32 $2.000000030e-01, v32  }
0x191: {  	v24 =	vand.u32 $0xFF, v36;
	v2 =	vadd.f32 v9, v2;
	v7 =	vadd.f32 v7, v8;
	v34 =	vld.idx.msk [tilespmem:v58+s28+$0x0], $0xffff  }
0x192: {  	v60 =	vmul.f32 v17, v23;
	v4 =	vadd.f32 v13, v4;
	v23 =	vld.idx.msk [tilespmem:v62+s28+$0x0], $0xffff;
	v27 =	vmul.f32 v59, v35  }
0x193: {  	v3 =	vadd.f32 v43, v3;
	v2 =	vadd.f32 v26, v2;
	v61 =	vld.idx.msk [tilespmem:v49+s28+$0x0], $0xffff;
	v56 =	vadd.s32 $0x7C, v6  }
0x194: {  	v11 =	vmul.f32 v52, v50;
	v37 =	vld.idx.msk [tilespmem:v63+s28+$0x0], $0xffff;
	v32 =	vadd.s32 $0x7E, v6;
	v33 =	vadd.f32 $3.333333430e-01, v27  }
0x195: {  	v52 =	vadd.s32 $0x1040, v46;
	v29 =	vmul.f32 v25, v22;
	v5 =	vld.idx.msk [tilespmem:v5+s28+$0x0], $0xffff;
	v6 =	vadd.s32 $0x7F, v6  }
0x196: {  	v4 =	vadd.f32 v54, v4;
	v13 =	vmul.f32 v48, v44;
	v44 =	vld [tilespmem:$0x1FFA0];
	v25 =	vmul.f32 v33, v35  }
0x197: {  	v19 =	vmul.f32 v30, v19;
	v15 =	vmul.f32 v40, v38;
	v38 =	vadd.s32 $0xFFFFFF81, v24;
	v48 =	vld [tilespmem:$0x1FFB0]  }
0x198: {  	v20 =	vcvt.s32.f32 v38;
	v40 =	vadd.f32 v31, v31;
	v21 =	vld.idx.msk [tilespmem:v56+s28+$0x0], $0xffff;
	v39 =	vadd.f32 $1.000000000e+00, v25  }
0x199: {  	v3 =	vadd.f32 v60, v3;
	v4 =	vadd.f32 v19, v4;
	v8 =	vmul.f32 v57, v55;
	v22 =	vld.idx.msk [tilespmem:v32+s28+$0x0], $0xffff  }
0x19a: {  	v7 =	vadd.f32 v29, v7;
	v42 =	vmul.f32 $6.931471820e-01, v20;
	v6 =	vld.idx.msk [tilespmem:v6+s28+$0x0], $0xffff;
	v41 =	vmul.f32 v39, v40  }
0x19b: {  	v3 =	vadd.f32 v15, v3;
	v43 =	vmul.f32 v14, v61;
	v14 =	vadd.s32 $0x1040, v44  }
0x19c: {  	v49 =	vadd.s32 $0x1040, v47;
	v57 =	vld [tilespmem:$0x1FFD0];
	v2 =	vadd.f32 v13, v2;
	v45 =	vadd.f32 v41, v42  }
0x19d: {  	v4 =	vadd.f32 v8, v4;
	v7 =	vadd.f32 v11, v7;
	v12 =	vadd.s32 $0x1040, v48;
	v56 =	vld [tilespmem:$0x1FFC0]  }
0x19e: {  	v9 =	vmul.f32 v23, v34;
	v50 =	vmul.f32 v21, v18;
	v13 =	vadd.f32 $-4.605170250e+00, v45  }
0x19f: {  	v3 =	vadd.f32 v43, v3;
	v51 =	vmul.f32 v22, v37;
	v5 =	vmul.f32 v6, v5  }
0x1a0: {  	v7 =	vadd.f32 v9, v7;
	v53 =	vld.idx.msk [tilespmem:v14+s28+$0x0], $0xffff;
	v2 =	vadd.f32 v50, v2;
	v54 =	vmul.f32 $7.500000000e-01, v13  }
0x1a1: {  	v8 =	vld.idx.msk [tilespmem:v49+s28+$0x0], $0xffff;
	v4 =	vadd.f32 v51, v4;
	v3 =	vadd.f32 v5, v3  }
0x1a2: {  	v55 =	vld.idx.msk [tilespmem:v12+s28+$0x0], $0xffff;
	v12 =	vadd.f32 v57, v56;
	v10 =	vmul.f32 $1.442695020e+00, v54  }
0x1a3: {  	v58 =	vld.idx.msk [tilespmem:v52+s28+$0x0], $0xffff;
	v2 =	vadd.f32 v7, v2;
	v3 =	vadd.f32 v3, v4  }
0x1a4: {  	v61 =	vld [tilespmem:$0x1FFE0];
	(erf) = vpow2.f32 v10  }
0x1a5: {  	v59 =	vadd.f32 v12, v53;
	v2 =	vadd.f32 v3, v2  }
0x1a6: {  	v62 =	vld [tilespmem:$0x1FFF0]  }
0x1a7: {  	v60 =	vadd.f32 v59, v55;
	v2 =	vadd.f32 v2, v8;
	_ =	sdelay $0x1  }
0x1a8: {  	v3 =	vsub.f32 v60, v61;
	v2 =	vadd.f32 v2, v58;
	_ =	sdelay $0x1  }
0x1a9: {  	vm0 =	vlt.f32 v62, $1.000000000e+02;
	v3 =	vmul.f32 v3, v3;
	v2 =	vsub.f32 v2, v45  }
0x1aa: {  	v1 =	vnsel vm0, $0x3F800000, v1  }
0x1ab: {  	vm15 =	vlt.f32 v0, $1.000000000e+02;
	v1 =	vmul.f32 v1, v3;
	v2 =	vmul.f32 v2, v2;
	v63 =	vpop (erf)  }
0x1ac: {  	v0 =	vnsel vm15, $0x3F800000, v63  }
0x1ad: {  	v1 =	vadd.f32 $0.0e+00, v1;
	v0 =	vmul.f32 v0, v2;
	_ =	sdelay $0x1  }
0x1ae: {  	v0 =	vadd.f32 v0, v1;
	_ =	sdelay $0x1  }
0x1af: {  	(xrf2) =	vadd.scan.msk.f32 $0xffff, v0;
	_ =	sdelay $0x9  }
0x1b0: {  	v0, _, _ =	vpop (xrf2)  }
0x1b1: {  	v0 =	vbroadcast v0, $0xF;
	_ =	sdelay $0x1  }
0x1b2: {  	s30 =	simm.s32 $0x1480;
	s31 =	simm.s32 $0x2;
	[tilespmem:$0x1480] =	vst v0  }
0x1b3: {  	[hbm4b:s1+s28] =	stream.linear.scatter [tilespmem:s30], [sflag:$0x2], $0x10, $0x38;
	[tilespmem:$0x1490] =	vst v63  }
0x1b4: {  	_ =	swait.ge [sflag:s31], $0x10  }
0x1b5: {  	[sflag:s31] =	ssyncset.done $0x0  }
0x1b6: {  	[sflag:s31] =	ssyncadd.s32 $0xFFFFFFF0  }
.LBB2_2:
0x1b7: {  	_ =	sfence.sel $0x180000  }
0x1b8: {  	[bflag:$0x0] =	sbarrier.arrive $0xFFFF  }
0x1b9: {  	_ =	strace $0x90000047  }
0x1ba: {  	s0 =	sadd.s32 @!p0 $0x100000, s0;
	[bflag:$0x2] =	sbarrier.arrive $0xFFFF  }
0x1bb: {  	[sflag:s0] =	ssyncadd.tile.s32 @!p0 $0x1;
	_ =	shalt  }
.Lfunc_end2:
_tile_overlayer_lowered:
.L_overlay_start_2:
0x1bc: {  	(tag) =	ssettag $0x2  }
0x1bd: {  	s0 =	rddreg [dreg:$0x0];
	s2 =	stileid.u32  }
0x1be: {  	s1 =	rddreg [dreg:$0x1];
	p0 =	sne.s32 s2, $0x0  }
0x1bf: {  	s3 =	rddreg [dreg:$0x2];
	[bflag:$0x3] =	sbarrier.arrive $0xFFFF;
	s2 =	simm.s32 @!p0 $0x1C02  }
0x1c0: {  	[timem:s3], [sflag:s2] =	dma.local @!p0 [hbm:s0], s1  }
0x1c1: {  	s0 =	simm.s32 @!p0 $0x2  }
0x1c2: {  	_ =	swait.ge @!p0 [sflag:s0], s1  }
0x1c3: {  	s1 =	ssub.s32 @!p0 $0x0, s1;
	[sflag:s0] =	ssyncset.done @!p0 $0x0  }
0x1c4: {  	[sflag:s0] =	ssyncadd.s32 @!p0 s1  }
0x1c5: {  	[bflag:$0x3] =	sbarrier.arrive $0xFFFF  }
0x1c6: {  	_ =	shalt  }

</sc_bundles>
